<compile_context>
chip_gen: v7x
topology: tpu7x:2x2x1
jax: 0.10.2.dev20260603
libtpu: 0.0.44.dev20260713+nightly
codegen_flags: <defaults>
</compile_context>

<pallas_src>
import functools
import jax
import jax.numpy as jnp
from jax import lax
from jax.experimental import pallas as pl
from jax.experimental.pallas import tpu as pltpu
from jax.experimental.pallas import tpu_sc as plsc

N = 10000
D = 128
NC = 2
NS = 16
NW = NC * NS
CHUNK = 128
NP = 10240
RPT = NP // NS
ROWBLK = 1024
GRID = NP // ROWBLK

_mesh = plsc.VectorSubcoreMesh(core_axis_name="c", subcore_axis_name="s")


def _make_deg_kernel(nchunk):
  DW = 16

  @functools.partial(
      pl.kernel,
      out_type=jax.ShapeDtypeStruct((NC, NP, DW), jnp.float32),
      mesh=_mesh,
      scratch_types=[
          pltpu.VMEM_SHARED((NP, DW), jnp.float32),
          pltpu.VMEM((nchunk, CHUNK), jnp.int32),
          pltpu.VMEM((CHUNK, DW), jnp.float32),
      ],
  )
  def deg_kernel(dst_hbm, out_hbm, dacc, idx_v, ones_v):
    cid = lax.axis_index("c")
    sid = lax.axis_index("s")
    wid = sid * NC + cid

    zero16 = jnp.zeros((16,), jnp.float32)
    one16 = jnp.ones((16,), jnp.float32)

    @pl.loop(0, CHUNK)
    def _z(r):
      ones_v[r, pl.ds(0, DW)] = zero16

    @pl.loop(0, RPT // CHUNK)
    def _zacc(k):
      pltpu.sync_copy(ones_v, dacc.at[pl.ds(sid * RPT + k * CHUNK, CHUNK)])

    @pl.loop(0, CHUNK)
    def _f(r):
      ones_v[r, pl.ds(0, DW)] = one16

    pltpu.sync_copy(dst_hbm.at[wid], idx_v)
    plsc.subcore_barrier()

    @pl.loop(0, nchunk)
    def _j(j):
      pltpu.sync_copy(ones_v, dacc.at[idx_v.at[j]], add=True)

    plsc.subcore_barrier()
    pltpu.sync_copy(dacc.at[pl.ds(sid * RPT, RPT)],
                    out_hbm.at[cid, pl.ds(sid * RPT, RPT)])

  return deg_kernel


def _make_prop_kernel(nchunk):
  @functools.partial(
      pl.kernel,
      out_type=jax.ShapeDtypeStruct((NC, NP, D), jnp.float32),
      mesh=_mesh,
      scratch_types=[
          pltpu.VMEM_SHARED((NP, D), jnp.float32),
          pltpu.VMEM((nchunk, CHUNK), jnp.int32),
          pltpu.VMEM((nchunk, CHUNK), jnp.int32),
          pltpu.VMEM((CHUNK, D), jnp.float32),
          pltpu.SemaphoreType.DMA,
      ],
  )
  def prop_kernel(hs_hbm, src_hbm, dst_hbm, out_hbm,
                  acc, is_v, id_v, rows_a, sem_a):
    cid = lax.axis_index("c")
    sid = lax.axis_index("s")
    wid = sid * NC + cid

    zero16 = jnp.zeros((16,), jnp.float32)

    @pl.loop(0, CHUNK)
    def _zr(r):
      @pl.loop(0, D // 16)
      def _zc(c):
        rows_a[r, pl.ds(c * 16, 16)] = zero16

    @pl.loop(0, RPT // CHUNK)
    def _zacc(k):
      pltpu.sync_copy(rows_a, acc.at[pl.ds(sid * RPT + k * CHUNK, CHUNK)])

    pltpu.sync_copy(src_hbm.at[wid], is_v)
    pltpu.sync_copy(dst_hbm.at[wid], id_v)
    plsc.subcore_barrier()

    @pl.loop(0, nchunk)
    def _chunk(j):
      pltpu.async_copy(hs_hbm.at[is_v.at[j]], rows_a, sem_a).wait()
      pltpu.sync_copy(rows_a, acc.at[id_v.at[j]], add=True)

    plsc.subcore_barrier()
    pltpu.sync_copy(acc.at[pl.ds(sid * RPT, RPT)],
                    out_hbm.at[cid, pl.ds(sid * RPT, RPT)])

  return prop_kernel


def _tc_first_body(x_ref, w_ref, dinv_ref, o_ref):
  h = jnp.dot(x_ref[...], w_ref[...], preferred_element_type=jnp.float32)
  o_ref[...] = h * dinv_ref[...]


def _tc_mid_body(p_ref, hp_ref, dinv_ref, b_ref, w_ref, o_ref):
  agg = p_ref[0] + p_ref[1] + hp_ref[...]
  xn = jnp.maximum(agg * dinv_ref[...] + b_ref[...], 0.0)
  h = jnp.dot(xn, w_ref[...], preferred_element_type=jnp.float32)
  o_ref[...] = h * dinv_ref[...]


def _tc_last_body(p_ref, hp_ref, dinv_ref, b_ref, o_ref):
  agg = p_ref[0] + p_ref[1] + hp_ref[...]
  o_ref[...] = agg * dinv_ref[...] + b_ref[...]


_rowspec = pl.BlockSpec((ROWBLK, D), lambda i: (i, 0))
_fullspec = pl.BlockSpec((D, D), lambda i: (0, 0))
_bspec = pl.BlockSpec((1, D), lambda i: (0, 0))
_pspec = pl.BlockSpec((NC, ROWBLK, D), lambda i: (0, i, 0))
_oshape = jax.ShapeDtypeStruct((NP, D), jnp.float32)


def _tc_first(xp, W, dinv_b):
  return pl.pallas_call(
      _tc_first_body, grid=(GRID,),
      in_specs=[_rowspec, _fullspec, _rowspec],
      out_specs=_rowspec, out_shape=_oshape,
  )(xp, W, dinv_b)


def _tc_mid(p, hp, dinv_b, b, W):
  return pl.pallas_call(
      _tc_mid_body, grid=(GRID,),
      in_specs=[_pspec, _rowspec, _rowspec, _bspec, _fullspec],
      out_specs=_rowspec, out_shape=_oshape,
  )(p, hp, dinv_b, b.reshape(1, D), W)


def _tc_last(p, hp, dinv_b, b):
  return pl.pallas_call(
      _tc_last_body, grid=(GRID,),
      in_specs=[_pspec, _rowspec, _rowspec, _bspec],
      out_specs=_rowspec, out_shape=_oshape,
  )(p, hp, dinv_b, b.reshape(1, D))


@jax.jit
def kernel(x, edge_index, W1, b1, W2, b2, W3, b3):
  E = edge_index.shape[1]
  nchunk = -(-E // (NW * CHUNK))
  nchunk += nchunk % 2
  e_pad = NW * nchunk * CHUNK - E

  src = jnp.concatenate(
      [edge_index[0].astype(jnp.int32), jnp.zeros((e_pad,), jnp.int32)])
  dst = jnp.concatenate(
      [edge_index[1].astype(jnp.int32), jnp.full((e_pad,), N, jnp.int32)])
  src3 = src.reshape(NW, nchunk, CHUNK)
  dst3 = dst.reshape(NW, nchunk, CHUNK)
  xp = jnp.pad(x, ((0, NP - N), (0, 0)))

  degp = _make_deg_kernel(nchunk)(dst3)
  dinv = lax.rsqrt(degp[0, :, 0] + degp[1, :, 0] + 1.0)
  dinv_b = jnp.broadcast_to(dinv[:, None], (NP, D))

  prop = _make_prop_kernel(nchunk)

  hs1 = _tc_first(xp, W1, dinv_b)
  p1 = prop(hs1, src3, dst3)
  hs2 = _tc_mid(p1, hs1, dinv_b, b1, W2)
  p2 = prop(hs2, src3, dst3)
  hs3 = _tc_mid(p2, hs2, dinv_b, b2, W3)
  p3 = prop(hs3, src3, dst3)
  out = _tc_last(p3, hs3, dinv_b, b3)
  return out[:N]

# --- scband reference (transcript-rebuilt; emitter-appended) ---
"""Pipeline reference for scband-gcnencoder-18176301596816 (READ-ONLY COPY).

The authoritative reference and input builder live on the scoring server;
editing this copy changes nothing except your own understanding.
"""

import jax, jax.numpy as jnp
import numpy as np

N_NODES = 10000
N_EDGES = 320000
IN_DIM = 128
HID_DIM = 128
OUT_DIM = 128


def gcn_conv(x, edge_index, W, b):
    # Standard GCNConv: x' = D^{-1/2} (A + I) D^{-1/2} x W + b
    N = x.shape[0]
    loop = jnp.arange(N, dtype=edge_index.dtype)
    src = jnp.concatenate([edge_index[0], loop])
    dst = jnp.concatenate([edge_index[1], loop])
    deg = jnp.zeros((N,), dtype=x.dtype).at[dst].add(1.0)
    dinv = jnp.where(deg > 0, 1.0 / jnp.sqrt(deg), 0.0)
    norm = dinv[src] * dinv[dst]
    h = x @ W
    msg = h[src] * norm[:, None]
    out = jnp.zeros((N, h.shape[1]), dtype=h.dtype).at[dst].add(msg)
    return out + b


def setup_inputs(seed: int = 0) -> dict:
    key = jax.random.key(seed)
    k_x, k_e, k1, k2, k3 = jax.random.split(key, 5)
    x = jax.random.normal(k_x, (N_NODES, IN_DIM), dtype=jnp.float32)
    edge_index = jax.random.randint(k_e, (2, N_EDGES), 0, N_NODES, dtype=jnp.int64)
    s1 = 1.0 / np.sqrt(IN_DIM)
    s2 = 1.0 / np.sqrt(HID_DIM)
    W1 = jax.random.uniform(k1, (IN_DIM, HID_DIM), jnp.float32, -s1, s1)
    b1 = jnp.zeros((HID_DIM,), jnp.float32)
    W2 = jax.random.uniform(k2, (HID_DIM, HID_DIM), jnp.float32, -s2, s2)
    b2 = jnp.zeros((HID_DIM,), jnp.float32)
    W3 = jax.random.uniform(k3, (HID_DIM, OUT_DIM), jnp.float32, -s2, s2)
    b3 = jnp.zeros((OUT_DIM,), jnp.float32)
    return {"x": x, "edge_index": edge_index, "W1": W1, "b1": b1, "W2": W2, "b2": b2, "W3": W3, "b3": b3}


def reference(x, edge_index, W1, b1, W2, b2, W3, b3):
    h = gcn_conv(x, edge_index, W1, b1)
    h = jax.nn.relu(h)
    # dropout(p=0.2) is identity in deterministic/eval reference
    h = gcn_conv(h, edge_index, W2, b2)
    h = jax.nn.relu(h)
    h = gcn_conv(h, edge_index, W3, b3)
    return h

if __name__ == "__main__":
    import jax
    _d = setup_inputs()
    print(jax.jit(kernel)(*tuple(_d.values())))

</pallas_src>

<mosaic_0001>
#map = affine_map<(d0, d1) -> (0, 0)>
#map1 = affine_map<(d0, d1) -> (0, 0, 0)>
module attributes {stable_mosaic.version = 14 : i64} {
  func.func @prop_kernel(%arg0: i32, %arg1: i32, %arg2: memref<10240x128xf32, #tpu.memory_space<hbm>>, %arg3: memref<32x80x128xi32, #tpu.memory_space<hbm>>, %arg4: memref<32x80x128xi32, #tpu.memory_space<hbm>>, %arg5: memref<2x10240x128xf32, #tpu.memory_space<hbm>>, %arg6: memref<10240x128xf32, #tpu.memory_space<vmem_shared>>, %arg7: memref<80x128xi32, #tpu.memory_space<vmem>>, %arg8: memref<80x128xi32, #tpu.memory_space<vmem>>, %arg9: memref<128x128xf32, #tpu.memory_space<vmem>>, %arg10: memref<!tpu.dma_semaphore, #tpu.memory_space<semaphore_mem>>) attributes {dimension_semantics = [#tpu.dimension_semantics<core_parallel>, #tpu.dimension_semantics<subcore_parallel>], iteration_bounds = array<i64: 2, 16>, scalar_prefetch = 0 : i64, scratch_operands = 5 : i64, tpu.core_type = #tpu.core_type<sc_vector_subcore>, window_params = [{transform_indices = #map}, {transform_indices = #map1}, {transform_indices = #map1}, {transform_indices = #map1}]} {
    %mul3A = arith.constant 2 : i32
    %mul3A_0 = arith.muli %arg1, %mul3A : i32
    %add3A = arith.addi %mul3A_0, %arg0 : i32
    %broadcast_in_dim3A = arith.constant 0.000000e+00 : f32
    %broadcast_in_dim3A_1 = vector.broadcast %broadcast_in_dim3A : f32 to vector<16xf32>
    %scan3A = arith.constant 0 : i32
    %scan3A_2 = arith.constant 128 : i32
    %scan3A_3 = arith.addi %scan3A, %scan3A_2 : i32
    %scan3A_4 = arith.constant 1 : i32
    scf.for %scan3A_21 = %scan3A to %scan3A_3 step %scan3A_4  : i32 {
      %mul3A_22 = arith.constant 1 : i32
      %mul3A_23 = arith.muli %scan3A_21, %mul3A_22 : i32
      %add3A_24 = arith.constant 0 : i32
      %add3A_25 = arith.addi %add3A_24, %mul3A_23 : i32
      %scan3A_26 = arith.constant 0 : i32
      %scan3A_27 = arith.constant 8 : i32
      %scan3A_28 = arith.addi %scan3A_26, %scan3A_27 : i32
      %scan3A_29 = arith.constant 1 : i32
      scf.for %scan3A_31 = %scan3A_26 to %scan3A_28 step %scan3A_29  : i32 {
        %mul3A_32 = arith.constant 1 : i32
        %mul3A_33 = arith.muli %scan3A_31, %mul3A_32 : i32
        %add3A_34 = arith.constant 0 : i32
        %add3A_35 = arith.addi %add3A_34, %mul3A_33 : i32
        %mul3A_36 = arith.constant 16 : i32
        %mul3A_37 = arith.muli %add3A_35, %mul3A_36 : i32
        %swap3A = arith.index_cast %add3A_25 : i32 to index
        %swap3A_38 = arith.index_cast %mul3A_37 : i32 to index
        %swap3A_39 = tpu.vector_load %arg9[%swap3A, %swap3A_38] {strides = array<i32>} : memref<128x128xf32, #tpu.memory_space<vmem>>, vector<1x16xf32>,
        %swap3A_40 = vector.shape_cast %swap3A_39 : vector<1x16xf32> to vector<16xf32>
        %swap3A_41 = vector.shape_cast %broadcast_in_dim3A_1 : vector<16xf32> to vector<1x16xf32>
        tpu.vector_store %arg9[%swap3A, %swap3A_38], %swap3A_41 {strides = array<i32>} : memref<128x128xf32, #tpu.memory_space<vmem>>, vector<1x16xf32>,
      }
      %scan3A_30 = arith.constant 8 : i32
    }
    %scan3A_5 = arith.constant 128 : i32
    %scan3A_6 = arith.constant 0 : i32
    %scan3A_7 = arith.constant 5 : i32
    %scan3A_8 = arith.addi %scan3A_6, %scan3A_7 : i32
    %scan3A_9 = arith.constant 1 : i32
    scf.for %scan3A_21 = %scan3A_6 to %scan3A_8 step %scan3A_9  : i32 {
      %mul3A_22 = arith.constant 1 : i32
      %mul3A_23 = arith.muli %scan3A_21, %mul3A_22 : i32
      %add3A_24 = arith.constant 0 : i32
      %add3A_25 = arith.addi %add3A_24, %mul3A_23 : i32
      %mul3A_26 = arith.constant 640 : i32
      %mul3A_27 = arith.muli %arg1, %mul3A_26 : i32
      %mul3A_28 = arith.constant 128 : i32
      %mul3A_29 = arith.muli %add3A_25, %mul3A_28 : i32
      %add3A_30 = arith.addi %mul3A_27, %mul3A_29 : i32
      "tpu.region"() ({
        %run_scoped3A = tpu.sem_alloc : memref<!tpu.dma_semaphore, #tpu.memory_space<semaphore_mem>>
        %dma_start3A = arith.constant 0 : i32
        %dma_start3A_31 = tpu.memref_slice %arg6[%add3A_30, %dma_start3A] : memref<10240x128xf32, #tpu.memory_space<vmem_shared>> -> memref<128x128xf32, #tpu.memory_space<vmem_shared>>
        %dma_start3A_32 = arith.constant 0 : i32
        %dma_start3A_33 = tpu.memref_slice %arg6[%add3A_30, %dma_start3A_32] : memref<10240x128xf32, #tpu.memory_space<vmem_shared>> -> memref<128x128xf32, #tpu.memory_space<vmem_shared>>
        tpu.enqueue_dma source(%arg9 : memref<128x128xf32, #tpu.memory_space<vmem>>) target(%dma_start3A_33 : memref<128x128xf32, #tpu.memory_space<vmem_shared>>) target_semaphore(%run_scoped3A : memref<!tpu.dma_semaphore, #tpu.memory_space<semaphore_mem>>)
        %dma_wait3A = arith.constant 0 : i32
        %dma_wait3A_34 = tpu.memref_slice %arg6[%add3A_30, %dma_wait3A] : memref<10240x128xf32, #tpu.memory_space<vmem_shared>> -> memref<128x128xf32, #tpu.memory_space<vmem_shared>>
        %dma_wait3A_35 = arith.constant 0 : i32
        %dma_wait3A_36 = tpu.memref_slice %arg6[%add3A_30, %dma_wait3A_35] : memref<10240x128xf32, #tpu.memory_space<vmem_shared>> -> memref<128x128xf32, #tpu.memory_space<vmem_shared>>
        tpu.wait_dma2 semaphore(%run_scoped3A : memref<!tpu.dma_semaphore, #tpu.memory_space<semaphore_mem>>) src(%arg9 : memref<128x128xf32, #tpu.memory_space<vmem>>) dst(%dma_wait3A_36 : memref<128x128xf32, #tpu.memory_space<vmem_shared>>)
        tpu.yield
      }) : () -> ()
    }
    %scan3A_10 = arith.constant 5 : i32
    "tpu.region"() ({
      %run_scoped3A = tpu.sem_alloc : memref<!tpu.dma_semaphore, #tpu.memory_space<semaphore_mem>>
      %dma_start3A = arith.constant 0 : i32
      %dma_start3A_21 = arith.constant 0 : i32
      %dma_start3A_22 = tpu.memref_slice %arg3[%add3A, %dma_start3A, %dma_start3A_21] : memref<32x80x128xi32, #tpu.memory_space<hbm>> -> memref<1x80x128xi32, #tpu.memory_space<hbm>>
      %dma_start3A_23 = tpu.memref_squeeze %dma_start3A_22 : memref<1x80x128xi32, #tpu.memory_space<hbm>> -> memref<80x128xi32, #tpu.memory_space<hbm>>
      %dma_start3A_24 = arith.constant 0 : i32
      %dma_start3A_25 = arith.constant 0 : i32
      %dma_start3A_26 = tpu.memref_slice %arg3[%add3A, %dma_start3A_24, %dma_start3A_25] : memref<32x80x128xi32, #tpu.memory_space<hbm>> -> memref<1x80x128xi32, #tpu.memory_space<hbm>>
      %dma_start3A_27 = tpu.memref_squeeze %dma_start3A_26 : memref<1x80x128xi32, #tpu.memory_space<hbm>> -> memref<80x128xi32, #tpu.memory_space<hbm>>
      tpu.enqueue_dma source(%dma_start3A_27 : memref<80x128xi32, #tpu.memory_space<hbm>>) target(%arg7 : memref<80x128xi32, #tpu.memory_space<vmem>>) target_semaphore(%run_scoped3A : memref<!tpu.dma_semaphore, #tpu.memory_space<semaphore_mem>>)
      %dma_wait3A = arith.constant 0 : i32
      %dma_wait3A_28 = arith.constant 0 : i32
      %dma_wait3A_29 = tpu.memref_slice %arg3[%add3A, %dma_wait3A, %dma_wait3A_28] : memref<32x80x128xi32, #tpu.memory_space<hbm>> -> memref<1x80x128xi32, #tpu.memory_space<hbm>>
      %dma_wait3A_30 = tpu.memref_squeeze %dma_wait3A_29 : memref<1x80x128xi32, #tpu.memory_space<hbm>> -> memref<80x128xi32, #tpu.memory_space<hbm>>
      %dma_wait3A_31 = arith.constant 0 : i32
      %dma_wait3A_32 = arith.constant 0 : i32
      %dma_wait3A_33 = tpu.memref_slice %arg3[%add3A, %dma_wait3A_31, %dma_wait3A_32] : memref<32x80x128xi32, #tpu.memory_space<hbm>> -> memref<1x80x128xi32, #tpu.memory_space<hbm>>
      %dma_wait3A_34 = tpu.memref_squeeze %dma_wait3A_33 : memref<1x80x128xi32, #tpu.memory_space<hbm>> -> memref<80x128xi32, #tpu.memory_space<hbm>>
      tpu.wait_dma2 semaphore(%run_scoped3A : memref<!tpu.dma_semaphore, #tpu.memory_space<semaphore_mem>>) src(%dma_wait3A_34 : memref<80x128xi32, #tpu.memory_space<hbm>>) dst(%arg7 : memref<80x128xi32, #tpu.memory_space<vmem>>)
      tpu.yield
    }) : () -> ()
    "tpu.region"() ({
      %run_scoped3A = tpu.sem_alloc : memref<!tpu.dma_semaphore, #tpu.memory_space<semaphore_mem>>
      %dma_start3A = arith.constant 0 : i32
      %dma_start3A_21 = arith.constant 0 : i32
      %dma_start3A_22 = tpu.memref_slice %arg4[%add3A, %dma_start3A, %dma_start3A_21] : memref<32x80x128xi32, #tpu.memory_space<hbm>> -> memref<1x80x128xi32, #tpu.memory_space<hbm>>
      %dma_start3A_23 = tpu.memref_squeeze %dma_start3A_22 : memref<1x80x128xi32, #tpu.memory_space<hbm>> -> memref<80x128xi32, #tpu.memory_space<hbm>>
      %dma_start3A_24 = arith.constant 0 : i32
      %dma_start3A_25 = arith.constant 0 : i32
      %dma_start3A_26 = tpu.memref_slice %arg4[%add3A, %dma_start3A_24, %dma_start3A_25] : memref<32x80x128xi32, #tpu.memory_space<hbm>> -> memref<1x80x128xi32, #tpu.memory_space<hbm>>
      %dma_start3A_27 = tpu.memref_squeeze %dma_start3A_26 : memref<1x80x128xi32, #tpu.memory_space<hbm>> -> memref<80x128xi32, #tpu.memory_space<hbm>>
      tpu.enqueue_dma source(%dma_start3A_27 : memref<80x128xi32, #tpu.memory_space<hbm>>) target(%arg8 : memref<80x128xi32, #tpu.memory_space<vmem>>) target_semaphore(%run_scoped3A : memref<!tpu.dma_semaphore, #tpu.memory_space<semaphore_mem>>)
      %dma_wait3A = arith.constant 0 : i32
      %dma_wait3A_28 = arith.constant 0 : i32
      %dma_wait3A_29 = tpu.memref_slice %arg4[%add3A, %dma_wait3A, %dma_wait3A_28] : memref<32x80x128xi32, #tpu.memory_space<hbm>> -> memref<1x80x128xi32, #tpu.memory_space<hbm>>
      %dma_wait3A_30 = tpu.memref_squeeze %dma_wait3A_29 : memref<1x80x128xi32, #tpu.memory_space<hbm>> -> memref<80x128xi32, #tpu.memory_space<hbm>>
      %dma_wait3A_31 = arith.constant 0 : i32
      %dma_wait3A_32 = arith.constant 0 : i32
      %dma_wait3A_33 = tpu.memref_slice %arg4[%add3A, %dma_wait3A_31, %dma_wait3A_32] : memref<32x80x128xi32, #tpu.memory_space<hbm>> -> memref<1x80x128xi32, #tpu.memory_space<hbm>>
      %dma_wait3A_34 = tpu.memref_squeeze %dma_wait3A_33 : memref<1x80x128xi32, #tpu.memory_space<hbm>> -> memref<80x128xi32, #tpu.memory_space<hbm>>
      tpu.wait_dma2 semaphore(%run_scoped3A : memref<!tpu.dma_semaphore, #tpu.memory_space<semaphore_mem>>) src(%dma_wait3A_34 : memref<80x128xi32, #tpu.memory_space<hbm>>) dst(%arg8 : memref<80x128xi32, #tpu.memory_space<vmem>>)
      tpu.yield
    }) : () -> ()
    %barrier3A = arith.constant 0 : index
    tpu.barrier barrier_id(%barrier3A)
    %scan3A_11 = arith.constant 0 : i32
    %scan3A_12 = arith.constant 80 : i32
    %scan3A_13 = arith.addi %scan3A_11, %scan3A_12 : i32
    %scan3A_14 = arith.constant 1 : i32
    scf.for %scan3A_21 = %scan3A_11 to %scan3A_13 step %scan3A_14  : i32 {
      %mul3A_22 = arith.constant 1 : i32
      %mul3A_23 = arith.muli %scan3A_21, %mul3A_22 : i32
      %add3A_24 = arith.constant 0 : i32
      %add3A_25 = arith.addi %add3A_24, %mul3A_23 : i32
      %dma_start3A = arith.constant 0 : i32
      %dma_start3A_26 = tpu.memref_slice %arg7[%add3A_25, %dma_start3A] : memref<80x128xi32, #tpu.memory_space<vmem>> -> memref<1x128xi32, #tpu.memory_space<vmem>>
      %dma_start3A_27 = tpu.memref_squeeze %dma_start3A_26 : memref<1x128xi32, #tpu.memory_space<vmem>> -> memref<128xi32, #tpu.memory_space<vmem>>
      %dma_start3A_28 = arith.constant 0 : i32
      %dma_start3A_29 = arith.constant 0 : i32
      %dma_start3A_30 = tpu.memref_slice %arg2[%dma_start3A_28, %dma_start3A_29] : memref<10240x128xf32, #tpu.memory_space<hbm>> -> memref<10240x128xf32, #tpu.memory_space<hbm>>
      tpu.enqueue_indirect_dma source(%dma_start3A_30 : memref<10240x128xf32, #tpu.memory_space<hbm>>) target(%arg9 : memref<128x128xf32, #tpu.memory_space<vmem>>) offsets(%dma_start3A_27 : memref<128xi32, #tpu.memory_space<vmem>>) semaphore(%arg10 : memref<!tpu.dma_semaphore, #tpu.memory_space<semaphore_mem>>)
      %dma_wait3A = arith.constant 0 : i32
      %dma_wait3A_31 = tpu.memref_slice %arg7[%add3A_25, %dma_wait3A] : memref<80x128xi32, #tpu.memory_space<vmem>> -> memref<1x128xi32, #tpu.memory_space<vmem>>
      %dma_wait3A_32 = tpu.memref_squeeze %dma_wait3A_31 : memref<1x128xi32, #tpu.memory_space<vmem>> -> memref<128xi32, #tpu.memory_space<vmem>>
      %dma_wait3A_33 = arith.constant 0 : i32
      %dma_wait3A_34 = arith.constant 0 : i32
      %dma_wait3A_35 = tpu.memref_slice %arg2[%dma_wait3A_33, %dma_wait3A_34] : memref<10240x128xf32, #tpu.memory_space<hbm>> -> memref<10240x128xf32, #tpu.memory_space<hbm>>
      tpu.wait_indirect_dma semaphore(%arg10 : memref<!tpu.dma_semaphore, #tpu.memory_space<semaphore_mem>>) src(%dma_wait3A_35 : memref<10240x128xf32, #tpu.memory_space<hbm>>) dst(%arg9 : memref<128x128xf32, #tpu.memory_space<vmem>>)
      "tpu.region"() ({
        %run_scoped3A = tpu.sem_alloc : memref<!tpu.dma_semaphore, #tpu.memory_space<semaphore_mem>>
        %dma_start3A_36 = arith.constant 0 : i32
        %dma_start3A_37 = tpu.memref_slice %arg8[%add3A_25, %dma_start3A_36] : memref<80x128xi32, #tpu.memory_space<vmem>> -> memref<1x128xi32, #tpu.memory_space<vmem>>
        %dma_start3A_38 = tpu.memref_squeeze %dma_start3A_37 : memref<1x128xi32, #tpu.memory_space<vmem>> -> memref<128xi32, #tpu.memory_space<vmem>>
        %dma_start3A_39 = arith.constant 0 : i32
        %dma_start3A_40 = arith.constant 0 : i32
        %dma_start3A_41 = tpu.memref_slice %arg6[%dma_start3A_39, %dma_start3A_40] : memref<10240x128xf32, #tpu.memory_space<vmem_shared>> -> memref<10240x128xf32, #tpu.memory_space<vmem_shared>>
        tpu.enqueue_indirect_dma source(%arg9 : memref<128x128xf32, #tpu.memory_space<vmem>>) target(%dma_start3A_41 : memref<10240x128xf32, #tpu.memory_space<vmem_shared>>) offsets(%dma_start3A_38 : memref<128xi32, #tpu.memory_space<vmem>>) semaphore(%run_scoped3A : memref<!tpu.dma_semaphore, #tpu.memory_space<semaphore_mem>>) {add = true}
        %dma_wait3A_42 = arith.constant 0 : i32
        %dma_wait3A_43 = tpu.memref_slice %arg8[%add3A_25, %dma_wait3A_42] : memref<80x128xi32, #tpu.memory_space<vmem>> -> memref<1x128xi32, #tpu.memory_space<vmem>>
        %dma_wait3A_44 = tpu.memref_squeeze %dma_wait3A_43 : memref<1x128xi32, #tpu.memory_space<vmem>> -> memref<128xi32, #tpu.memory_space<vmem>>
        %dma_wait3A_45 = arith.constant 0 : i32
        %dma_wait3A_46 = arith.constant 0 : i32
        %dma_wait3A_47 = tpu.memref_slice %arg6[%dma_wait3A_45, %dma_wait3A_46] : memref<10240x128xf32, #tpu.memory_space<vmem_shared>> -> memref<10240x128xf32, #tpu.memory_space<vmem_shared>>
        tpu.wait_indirect_dma semaphore(%run_scoped3A : memref<!tpu.dma_semaphore, #tpu.memory_space<semaphore_mem>>) src(%arg9 : memref<128x128xf32, #tpu.memory_space<vmem>>) dst(%dma_wait3A_47 : memref<10240x128xf32, #tpu.memory_space<vmem_shared>>)
        tpu.yield
      }) : () -> ()
    }
    %scan3A_15 = arith.constant 80 : i32
    %barrier3A_16 = arith.constant 0 : index
    tpu.barrier barrier_id(%barrier3A_16)
    %mul3A_17 = arith.constant 640 : i32
    %mul3A_18 = arith.muli %arg1, %mul3A_17 : i32
    %mul3A_19 = arith.constant 640 : i32
    %mul3A_20 = arith.muli %arg1, %mul3A_19 : i32
    "tpu.region"() ({
      %run_scoped3A = tpu.sem_alloc : memref<!tpu.dma_semaphore, #tpu.memory_space<semaphore_mem>>
      %dma_start3A = arith.constant 0 : i32
      %dma_start3A_21 = tpu.memref_slice %arg5[%arg0, %mul3A_20, %dma_start3A] : memref<2x10240x128xf32, #tpu.memory_space<hbm>> -> memref<1x640x128xf32, #tpu.memory_space<hbm>>
      %dma_start3A_22 = tpu.memref_squeeze %dma_start3A_21 : memref<1x640x128xf32, #tpu.memory_space<hbm>> -> memref<640x128xf32, #tpu.memory_space<hbm>>
      %dma_start3A_23 = arith.constant 0 : i32
      %dma_start3A_24 = tpu.memref_slice %arg6[%mul3A_18, %dma_start3A_23] : memref<10240x128xf32, #tpu.memory_space<vmem_shared>> -> memref<640x128xf32, #tpu.memory_space<vmem_shared>>
      tpu.enqueue_dma source(%dma_start3A_24 : memref<640x128xf32, #tpu.memory_space<vmem_shared>>) target(%dma_start3A_22 : memref<640x128xf32, #tpu.memory_space<hbm>>) target_semaphore(%run_scoped3A : memref<!tpu.dma_semaphore, #tpu.memory_space<semaphore_mem>>)
      %dma_wait3A = arith.constant 0 : i32
      %dma_wait3A_25 = tpu.memref_slice %arg5[%arg0, %mul3A_20, %dma_wait3A] : memref<2x10240x128xf32, #tpu.memory_space<hbm>> -> memref<1x640x128xf32, #tpu.memory_space<hbm>>
      %dma_wait3A_26 = tpu.memref_squeeze %dma_wait3A_25 : memref<1x640x128xf32, #tpu.memory_space<hbm>> -> memref<640x128xf32, #tpu.memory_space<hbm>>
      %dma_wait3A_27 = arith.constant 0 : i32
      %dma_wait3A_28 = tpu.memref_slice %arg6[%mul3A_18, %dma_wait3A_27] : memref<10240x128xf32, #tpu.memory_space<vmem_shared>> -> memref<640x128xf32, #tpu.memory_space<vmem_shared>>
      tpu.wait_dma2 semaphore(%run_scoped3A : memref<!tpu.dma_semaphore, #tpu.memory_space<semaphore_mem>>) src(%dma_wait3A_28 : memref<640x128xf32, #tpu.memory_space<vmem_shared>>) dst(%dma_wait3A_26 : memref<640x128xf32, #tpu.memory_space<hbm>>)
      tpu.yield
    }) : () -> ()
    return
  }
}

#map = affine_map<(d0, d1) -> (0, 0)>
#map1 = affine_map<(d0, d1) -> (0, 0, 0)>
module attributes {stable_mosaic.version = 14 : i64} {
  func.func @prop_kernel(%arg0: i32, %arg1: i32, %arg2: memref<10240x128xf32, #tpu.memory_space<hbm>>, %arg3: memref<32x80x128xi32, #tpu.memory_space<hbm>>, %arg4: memref<32x80x128xi32, #tpu.memory_space<hbm>>, %arg5: memref<2x10240x128xf32, #tpu.memory_space<hbm>>, %arg6: memref<10240x128xf32, #tpu.memory_space<vmem_shared>>, %arg7: memref<80x128xi32, #tpu.memory_space<vmem>>, %arg8: memref<80x128xi32, #tpu.memory_space<vmem>>, %arg9: memref<128x128xf32, #tpu.memory_space<vmem>>, %arg10: memref<!tpu.dma_semaphore, #tpu.memory_space<semaphore_mem>>) attributes {dimension_semantics = [#tpu.dimension_semantics<core_parallel>, #tpu.dimension_semantics<subcore_parallel>], iteration_bounds = array<i64: 2, 16>, scalar_prefetch = 0 : i64, scratch_operands = 5 : i64, tpu.core_type = #tpu.core_type<sc_vector_subcore>, window_params = [{transform_indices = #map}, {transform_indices = #map1}, {transform_indices = #map1}, {transform_indices = #map1}]} {
    %mul3A = arith.constant 2 : i32
    %mul3A_0 = arith.muli %arg1, %mul3A : i32
    %add3A = arith.addi %mul3A_0, %arg0 : i32
    %broadcast_in_dim3A = arith.constant 0.000000e+00 : f32
    %broadcast_in_dim3A_1 = vector.broadcast %broadcast_in_dim3A : f32 to vector<16xf32>
    %scan3A = arith.constant 0 : i32
    %scan3A_2 = arith.constant 128 : i32
    %scan3A_3 = arith.addi %scan3A, %scan3A_2 : i32
    %scan3A_4 = arith.constant 1 : i32
    scf.for %scan3A_21 = %scan3A to %scan3A_3 step %scan3A_4  : i32 {
      %mul3A_22 = arith.constant 1 : i32
      %mul3A_23 = arith.muli %scan3A_21, %mul3A_22 : i32
      %add3A_24 = arith.constant 0 : i32
      %add3A_25 = arith.addi %add3A_24, %mul3A_23 : i32
      %scan3A_26 = arith.constant 0 : i32
      %scan3A_27 = arith.constant 8 : i32
      %scan3A_28 = arith.addi %scan3A_26, %scan3A_27 : i32
      %scan3A_29 = arith.constant 1 : i32
      scf.for %scan3A_31 = %scan3A_26 to %scan3A_28 step %scan3A_29  : i32 {
        %mul3A_32 = arith.constant 1 : i32
        %mul3A_33 = arith.muli %scan3A_31, %mul3A_32 : i32
        %add3A_34 = arith.constant 0 : i32
        %add3A_35 = arith.addi %add3A_34, %mul3A_33 : i32
        %mul3A_36 = arith.constant 16 : i32
        %mul3A_37 = arith.muli %add3A_35, %mul3A_36 : i32
        %swap3A = arith.index_cast %add3A_25 : i32 to index
        %swap3A_38 = arith.index_cast %mul3A_37 : i32 to index
        %swap3A_39 = tpu.vector_load %arg9[%swap3A, %swap3A_38] {strides = array<i32>} : memref<128x128xf32, #tpu.memory_space<vmem>>, vector<1x16xf32>,
        %swap3A_40 = vector.shape_cast %swap3A_39 : vector<1x16xf32> to vector<16xf32>
        %swap3A_41 = vector.shape_cast %broadcast_in_dim3A_1 : vector<16xf32> to vector<1x16xf32>
        tpu.vector_store %arg9[%swap3A, %swap3A_38], %swap3A_41 {strides = array<i32>} : memref<128x128xf32, #tpu.memory_space<vmem>>, vector<1x16xf32>,
      }
      %scan3A_30 = arith.constant 8 : i32
    }
    %scan3A_5 = arith.constant 128 : i32
    %scan3A_6 = arith.constant 0 : i32
    %scan3A_7 = arith.constant 5 : i32
    %scan3A_8 = arith.addi %scan3A_6, %scan3A_7 : i32
    %scan3A_9 = arith.constant 1 : i32
    scf.for %scan3A_21 = %scan3A_6 to %scan3A_8 step %scan3A_9  : i32 {
      %mul3A_22 = arith.constant 1 : i32
      %mul3A_23 = arith.muli %scan3A_21, %mul3A_22 : i32
      %add3A_24 = arith.constant 0 : i32
      %add3A_25 = arith.addi %add3A_24, %mul3A_23 : i32
      %mul3A_26 = arith.constant 640 : i32
      %mul3A_27 = arith.muli %arg1, %mul3A_26 : i32
      %mul3A_28 = arith.constant 128 : i32
      %mul3A_29 = arith.muli %add3A_25, %mul3A_28 : i32
      %add3A_30 = arith.addi %mul3A_27, %mul3A_29 : i32
      "tpu.region"() ({
        %run_scoped3A = tpu.sem_alloc : memref<!tpu.dma_semaphore, #tpu.memory_space<semaphore_mem>>
        %dma_start3A = arith.constant 0 : i32
        %dma_start3A_31 = tpu.memref_slice %arg6[%add3A_30, %dma_start3A] : memref<10240x128xf32, #tpu.memory_space<vmem_shared>> -> memref<128x128xf32, #tpu.memory_space<vmem_shared>>
        %dma_start3A_32 = arith.constant 0 : i32
        %dma_start3A_33 = tpu.memref_slice %arg6[%add3A_30, %dma_start3A_32] : memref<10240x128xf32, #tpu.memory_space<vmem_shared>> -> memref<128x128xf32, #tpu.memory_space<vmem_shared>>
        tpu.enqueue_dma source(%arg9 : memref<128x128xf32, #tpu.memory_space<vmem>>) target(%dma_start3A_33 : memref<128x128xf32, #tpu.memory_space<vmem_shared>>) target_semaphore(%run_scoped3A : memref<!tpu.dma_semaphore, #tpu.memory_space<semaphore_mem>>)
        %dma_wait3A = arith.constant 0 : i32
        %dma_wait3A_34 = tpu.memref_slice %arg6[%add3A_30, %dma_wait3A] : memref<10240x128xf32, #tpu.memory_space<vmem_shared>> -> memref<128x128xf32, #tpu.memory_space<vmem_shared>>
        %dma_wait3A_35 = arith.constant 0 : i32
        %dma_wait3A_36 = tpu.memref_slice %arg6[%add3A_30, %dma_wait3A_35] : memref<10240x128xf32, #tpu.memory_space<vmem_shared>> -> memref<128x128xf32, #tpu.memory_space<vmem_shared>>
        tpu.wait_dma2 semaphore(%run_scoped3A : memref<!tpu.dma_semaphore, #tpu.memory_space<semaphore_mem>>) src(%arg9 : memref<128x128xf32, #tpu.memory_space<vmem>>) dst(%dma_wait3A_36 : memref<128x128xf32, #tpu.memory_space<vmem_shared>>)
        tpu.yield
      }) : () -> ()
    }
    %scan3A_10 = arith.constant 5 : i32
    "tpu.region"() ({
      %run_scoped3A = tpu.sem_alloc : memref<!tpu.dma_semaphore, #tpu.memory_space<semaphore_mem>>
      %dma_start3A = arith.constant 0 : i32
      %dma_start3A_21 = arith.constant 0 : i32
      %dma_start3A_22 = tpu.memref_slice %arg3[%add3A, %dma_start3A, %dma_start3A_21] : memref<32x80x128xi32, #tpu.memory_space<hbm>> -> memref<1x80x128xi32, #tpu.memory_space<hbm>>
      %dma_start3A_23 = tpu.memref_squeeze %dma_start3A_22 : memref<1x80x128xi32, #tpu.memory_space<hbm>> -> memref<80x128xi32, #tpu.memory_space<hbm>>
      %dma_start3A_24 = arith.constant 0 : i32
      %dma_start3A_25 = arith.constant 0 : i32
      %dma_start3A_26 = tpu.memref_slice %arg3[%add3A, %dma_start3A_24, %dma_start3A_25] : memref<32x80x128xi32, #tpu.memory_space<hbm>> -> memref<1x80x128xi32, #tpu.memory_space<hbm>>
      %dma_start3A_27 = tpu.memref_squeeze %dma_start3A_26 : memref<1x80x128xi32, #tpu.memory_space<hbm>> -> memref<80x128xi32, #tpu.memory_space<hbm>>
      tpu.enqueue_dma source(%dma_start3A_27 : memref<80x128xi32, #tpu.memory_space<hbm>>) target(%arg7 : memref<80x128xi32, #tpu.memory_space<vmem>>) target_semaphore(%run_scoped3A : memref<!tpu.dma_semaphore, #tpu.memory_space<semaphore_mem>>)
      %dma_wait3A = arith.constant 0 : i32
      %dma_wait3A_28 = arith.constant 0 : i32
      %dma_wait3A_29 = tpu.memref_slice %arg3[%add3A, %dma_wait3A, %dma_wait3A_28] : memref<32x80x128xi32, #tpu.memory_space<hbm>> -> memref<1x80x128xi32, #tpu.memory_space<hbm>>
      %dma_wait3A_30 = tpu.memref_squeeze %dma_wait3A_29 : memref<1x80x128xi32, #tpu.memory_space<hbm>> -> memref<80x128xi32, #tpu.memory_space<hbm>>
      %dma_wait3A_31 = arith.constant 0 : i32
      %dma_wait3A_32 = arith.constant 0 : i32
      %dma_wait3A_33 = tpu.memref_slice %arg3[%add3A, %dma_wait3A_31, %dma_wait3A_32] : memref<32x80x128xi32, #tpu.memory_space<hbm>> -> memref<1x80x128xi32, #tpu.memory_space<hbm>>
      %dma_wait3A_34 = tpu.memref_squeeze %dma_wait3A_33 : memref<1x80x128xi32, #tpu.memory_space<hbm>> -> memref<80x128xi32, #tpu.memory_space<hbm>>
      tpu.wait_dma2 semaphore(%run_scoped3A : memref<!tpu.dma_semaphore, #tpu.memory_space<semaphore_mem>>) src(%dma_wait3A_34 : memref<80x128xi32, #tpu.memory_space<hbm>>) dst(%arg7 : memref<80x128xi32, #tpu.memory_space<vmem>>)
      tpu.yield
    }) : () -> ()
    "tpu.region"() ({
      %run_scoped3A = tpu.sem_alloc : memref<!tpu.dma_semaphore, #tpu.memory_space<semaphore_mem>>
      %dma_start3A = arith.constant 0 : i32
      %dma_start3A_21 = arith.constant 0 : i32
      %dma_start3A_22 = tpu.memref_slice %arg4[%add3A, %dma_start3A, %dma_start3A_21] : memref<32x80x128xi32, #tpu.memory_space<hbm>> -> memref<1x80x128xi32, #tpu.memory_space<hbm>>
      %dma_start3A_23 = tpu.memref_squeeze %dma_start3A_22 : memref<1x80x128xi32, #tpu.memory_space<hbm>> -> memref<80x128xi32, #tpu.memory_space<hbm>>
      %dma_start3A_24 = arith.constant 0 : i32
      %dma_start3A_25 = arith.constant 0 : i32
      %dma_start3A_26 = tpu.memref_slice %arg4[%add3A, %dma_start3A_24, %dma_start3A_25] : memref<32x80x128xi32, #tpu.memory_space<hbm>> -> memref<1x80x128xi32, #tpu.memory_space<hbm>>
      %dma_start3A_27 = tpu.memref_squeeze %dma_start3A_26 : memref<1x80x128xi32, #tpu.memory_space<hbm>> -> memref<80x128xi32, #tpu.memory_space<hbm>>
      tpu.enqueue_dma source(%dma_start3A_27 : memref<80x128xi32, #tpu.memory_space<hbm>>) target(%arg8 : memref<80x128xi32, #tpu.memory_space<vmem>>) target_semaphore(%run_scoped3A : memref<!tpu.dma_semaphore, #tpu.memory_space<semaphore_mem>>)
      %dma_wait3A = arith.constant 0 : i32
      %dma_wait3A_28 = arith.constant 0 : i32
      %dma_wait3A_29 = tpu.memref_slice %arg4[%add3A, %dma_wait3A, %dma_wait3A_28] : memref<32x80x128xi32, #tpu.memory_space<hbm>> -> memref<1x80x128xi32, #tpu.memory_space<hbm>>
      %dma_wait3A_30 = tpu.memref_squeeze %dma_wait3A_29 : memref<1x80x128xi32, #tpu.memory_space<hbm>> -> memref<80x128xi32, #tpu.memory_space<hbm>>
      %dma_wait3A_31 = arith.constant 0 : i32
      %dma_wait3A_32 = arith.constant 0 : i32
      %dma_wait3A_33 = tpu.memref_slice %arg4[%add3A, %dma_wait3A_31, %dma_wait3A_32] : memref<32x80x128xi32, #tpu.memory_space<hbm>> -> memref<1x80x128xi32, #tpu.memory_space<hbm>>
      %dma_wait3A_34 = tpu.memref_squeeze %dma_wait3A_33 : memref<1x80x128xi32, #tpu.memory_space<hbm>> -> memref<80x128xi32, #tpu.memory_space<hbm>>
      tpu.wait_dma2 semaphore(%run_scoped3A : memref<!tpu.dma_semaphore, #tpu.memory_space<semaphore_mem>>) src(%dma_wait3A_34 : memref<80x128xi32, #tpu.memory_space<hbm>>) dst(%arg8 : memref<80x128xi32, #tpu.memory_space<vmem>>)
      tpu.yield
    }) : () -> ()
    %barrier3A = arith.constant 0 : index
    tpu.barrier barrier_id(%barrier3A)
    %scan3A_11 = arith.constant 0 : i32
    %scan3A_12 = arith.constant 80 : i32
    %scan3A_13 = arith.addi %scan3A_11, %scan3A_12 : i32
    %scan3A_14 = arith.constant 1 : i32
    scf.for %scan3A_21 = %scan3A_11 to %scan3A_13 step %scan3A_14  : i32 {
      %mul3A_22 = arith.constant 1 : i32
      %mul3A_23 = arith.muli %scan3A_21, %mul3A_22 : i32
      %add3A_24 = arith.constant 0 : i32
      %add3A_25 = arith.addi %add3A_24, %mul3A_23 : i32
      %dma_start3A = arith.constant 0 : i32
      %dma_start3A_26 = tpu.memref_slice %arg7[%add3A_25, %dma_start3A] : memref<80x128xi32, #tpu.memory_space<vmem>> -> memref<1x128xi32, #tpu.memory_space<vmem>>
      %dma_start3A_27 = tpu.memref_squeeze %dma_start3A_26 : memref<1x128xi32, #tpu.memory_space<vmem>> -> memref<128xi32, #tpu.memory_space<vmem>>
      %dma_start3A_28 = arith.constant 0 : i32
      %dma_start3A_29 = arith.constant 0 : i32
      %dma_start3A_30 = tpu.memref_slice %arg2[%dma_start3A_28, %dma_start3A_29] : memref<10240x128xf32, #tpu.memory_space<hbm>> -> memref<10240x128xf32, #tpu.memory_space<hbm>>
      tpu.enqueue_indirect_dma source(%dma_start3A_30 : memref<10240x128xf32, #tpu.memory_space<hbm>>) target(%arg9 : memref<128x128xf32, #tpu.memory_space<vmem>>) offsets(%dma_start3A_27 : memref<128xi32, #tpu.memory_space<vmem>>) semaphore(%arg10 : memref<!tpu.dma_semaphore, #tpu.memory_space<semaphore_mem>>)
      %dma_wait3A = arith.constant 0 : i32
      %dma_wait3A_31 = tpu.memref_slice %arg7[%add3A_25, %dma_wait3A] : memref<80x128xi32, #tpu.memory_space<vmem>> -> memref<1x128xi32, #tpu.memory_space<vmem>>
      %dma_wait3A_32 = tpu.memref_squeeze %dma_wait3A_31 : memref<1x128xi32, #tpu.memory_space<vmem>> -> memref<128xi32, #tpu.memory_space<vmem>>
      %dma_wait3A_33 = arith.constant 0 : i32
      %dma_wait3A_34 = arith.constant 0 : i32
      %dma_wait3A_35 = tpu.memref_slice %arg2[%dma_wait3A_33, %dma_wait3A_34] : memref<10240x128xf32, #tpu.memory_space<hbm>> -> memref<10240x128xf32, #tpu.memory_space<hbm>>
      tpu.wait_indirect_dma semaphore(%arg10 : memref<!tpu.dma_semaphore, #tpu.memory_space<semaphore_mem>>) src(%dma_wait3A_35 : memref<10240x128xf32, #tpu.memory_space<hbm>>) dst(%arg9 : memref<128x128xf32, #tpu.memory_space<vmem>>)
      "tpu.region"() ({
        %run_scoped3A = tpu.sem_alloc : memref<!tpu.dma_semaphore, #tpu.memory_space<semaphore_mem>>
        %dma_start3A_36 = arith.constant 0 : i32
        %dma_start3A_37 = tpu.memref_slice %arg8[%add3A_25, %dma_start3A_36] : memref<80x128xi32, #tpu.memory_space<vmem>> -> memref<1x128xi32, #tpu.memory_space<vmem>>
        %dma_start3A_38 = tpu.memref_squeeze %dma_start3A_37 : memref<1x128xi32, #tpu.memory_space<vmem>> -> memref<128xi32, #tpu.memory_space<vmem>>
        %dma_start3A_39 = arith.constant 0 : i32
        %dma_start3A_40 = arith.constant 0 : i32
        %dma_start3A_41 = tpu.memref_slice %arg6[%dma_start3A_39, %dma_start3A_40] : memref<10240x128xf32, #tpu.memory_space<vmem_shared>> -> memref<10240x128xf32, #tpu.memory_space<vmem_shared>>
        tpu.enqueue_indirect_dma source(%arg9 : memref<128x128xf32, #tpu.memory_space<vmem>>) target(%dma_start3A_41 : memref<10240x128xf32, #tpu.memory_space<vmem_shared>>) offsets(%dma_start3A_38 : memref<128xi32, #tpu.memory_space<vmem>>) semaphore(%run_scoped3A : memref<!tpu.dma_semaphore, #tpu.memory_space<semaphore_mem>>) {add = true}
        %dma_wait3A_42 = arith.constant 0 : i32
        %dma_wait3A_43 = tpu.memref_slice %arg8[%add3A_25, %dma_wait3A_42] : memref<80x128xi32, #tpu.memory_space<vmem>> -> memref<1x128xi32, #tpu.memory_space<vmem>>
        %dma_wait3A_44 = tpu.memref_squeeze %dma_wait3A_43 : memref<1x128xi32, #tpu.memory_space<vmem>> -> memref<128xi32, #tpu.memory_space<vmem>>
        %dma_wait3A_45 = arith.constant 0 : i32
        %dma_wait3A_46 = arith.constant 0 : i32
        %dma_wait3A_47 = tpu.memref_slice %arg6[%dma_wait3A_45, %dma_wait3A_46] : memref<10240x128xf32, #tpu.memory_space<vmem_shared>> -> memref<10240x128xf32, #tpu.memory_space<vmem_shared>>
        tpu.wait_indirect_dma semaphore(%run_scoped3A : memref<!tpu.dma_semaphore, #tpu.memory_space<semaphore_mem>>) src(%arg9 : memref<128x128xf32, #tpu.memory_space<vmem>>) dst(%dma_wait3A_47 : memref<10240x128xf32, #tpu.memory_space<vmem_shared>>)
        tpu.yield
      }) : () -> ()
    }
    %scan3A_15 = arith.constant 80 : i32
    %barrier3A_16 = arith.constant 0 : index
    tpu.barrier barrier_id(%barrier3A_16)
    %mul3A_17 = arith.constant 640 : i32
    %mul3A_18 = arith.muli %arg1, %mul3A_17 : i32
    %mul3A_19 = arith.constant 640 : i32
    %mul3A_20 = arith.muli %arg1, %mul3A_19 : i32
    "tpu.region"() ({
      %run_scoped3A = tpu.sem_alloc : memref<!tpu.dma_semaphore, #tpu.memory_space<semaphore_mem>>
      %dma_start3A = arith.constant 0 : i32
      %dma_start3A_21 = tpu.memref_slice %arg5[%arg0, %mul3A_20, %dma_start3A] : memref<2x10240x128xf32, #tpu.memory_space<hbm>> -> memref<1x640x128xf32, #tpu.memory_space<hbm>>
      %dma_start3A_22 = tpu.memref_squeeze %dma_start3A_21 : memref<1x640x128xf32, #tpu.memory_space<hbm>> -> memref<640x128xf32, #tpu.memory_space<hbm>>
      %dma_start3A_23 = arith.constant 0 : i32
      %dma_start3A_24 = tpu.memref_slice %arg6[%mul3A_18, %dma_start3A_23] : memref<10240x128xf32, #tpu.memory_space<vmem_shared>> -> memref<640x128xf32, #tpu.memory_space<vmem_shared>>
      tpu.enqueue_dma source(%dma_start3A_24 : memref<640x128xf32, #tpu.memory_space<vmem_shared>>) target(%dma_start3A_22 : memref<640x128xf32, #tpu.memory_space<hbm>>) target_semaphore(%run_scoped3A : memref<!tpu.dma_semaphore, #tpu.memory_space<semaphore_mem>>)
      %dma_wait3A = arith.constant 0 : i32
      %dma_wait3A_25 = tpu.memref_slice %arg5[%arg0, %mul3A_20, %dma_wait3A] : memref<2x10240x128xf32, #tpu.memory_space<hbm>> -> memref<1x640x128xf32, #tpu.memory_space<hbm>>
      %dma_wait3A_26 = tpu.memref_squeeze %dma_wait3A_25 : memref<1x640x128xf32, #tpu.memory_space<hbm>> -> memref<640x128xf32, #tpu.memory_space<hbm>>
      %dma_wait3A_27 = arith.constant 0 : i32
      %dma_wait3A_28 = tpu.memref_slice %arg6[%mul3A_18, %dma_wait3A_27] : memref<10240x128xf32, #tpu.memory_space<vmem_shared>> -> memref<640x128xf32, #tpu.memory_space<vmem_shared>>
      tpu.wait_dma2 semaphore(%run_scoped3A : memref<!tpu.dma_semaphore, #tpu.memory_space<semaphore_mem>>) src(%dma_wait3A_28 : memref<640x128xf32, #tpu.memory_space<vmem_shared>>) dst(%dma_wait3A_26 : memref<640x128xf32, #tpu.memory_space<hbm>>)
      tpu.yield
    }) : () -> ()
    return
  }
}

#map = affine_map<(d0, d1) -> (0, 0, 0)>
module attributes {stable_mosaic.version = 14 : i64} {
  func.func @deg_kernel(%arg0: i32, %arg1: i32, %arg2: memref<32x80x128xi32, #tpu.memory_space<hbm>>, %arg3: memref<2x10240x16xf32, #tpu.memory_space<hbm>>, %arg4: memref<10240x16xf32, #tpu.memory_space<vmem_shared>>, %arg5: memref<80x128xi32, #tpu.memory_space<vmem>>, %arg6: memref<128x16xf32, #tpu.memory_space<vmem>>) attributes {dimension_semantics = [#tpu.dimension_semantics<core_parallel>, #tpu.dimension_semantics<subcore_parallel>], iteration_bounds = array<i64: 2, 16>, scalar_prefetch = 0 : i64, scratch_operands = 3 : i64, tpu.core_type = #tpu.core_type<sc_vector_subcore>, window_params = [{transform_indices = #map}, {transform_indices = #map}]} {
    %mul3A = arith.constant 2 : i32
    %mul3A_0 = arith.muli %arg1, %mul3A : i32
    %add3A = arith.addi %mul3A_0, %arg0 : i32
    %broadcast_in_dim3A = arith.constant 0.000000e+00 : f32
    %broadcast_in_dim3A_1 = vector.broadcast %broadcast_in_dim3A : f32 to vector<16xf32>
    %broadcast_in_dim3A_2 = arith.constant 1.000000e+00 : f32
    %broadcast_in_dim3A_3 = vector.broadcast %broadcast_in_dim3A_2 : f32 to vector<16xf32>
    %scan3A = arith.constant 0 : i32
    %scan3A_4 = arith.constant 128 : i32
    %scan3A_5 = arith.addi %scan3A, %scan3A_4 : i32
    %scan3A_6 = arith.constant 1 : i32
    scf.for %scan3A_28 = %scan3A to %scan3A_5 step %scan3A_6  : i32 {
      %mul3A_29 = arith.constant 1 : i32
      %mul3A_30 = arith.muli %scan3A_28, %mul3A_29 : i32
      %add3A_31 = arith.constant 0 : i32
      %add3A_32 = arith.addi %add3A_31, %mul3A_30 : i32
      %swap3A = arith.index_cast %add3A_32 : i32 to index
      %swap3A_33 = arith.constant 0 : index
      %swap3A_34 = tpu.vector_load %arg6[%swap3A, %swap3A_33] {strides = array<i32>} : memref<128x16xf32, #tpu.memory_space<vmem>>, vector<1x16xf32>,
      %swap3A_35 = vector.shape_cast %swap3A_34 : vector<1x16xf32> to vector<16xf32>
      %swap3A_36 = vector.shape_cast %broadcast_in_dim3A_1 : vector<16xf32> to vector<1x16xf32>
      tpu.vector_store %arg6[%swap3A, %swap3A_33], %swap3A_36 {strides = array<i32>} : memref<128x16xf32, #tpu.memory_space<vmem>>, vector<1x16xf32>,
    }
    %scan3A_7 = arith.constant 128 : i32
    %scan3A_8 = arith.constant 0 : i32
    %scan3A_9 = arith.constant 5 : i32
    %scan3A_10 = arith.addi %scan3A_8, %scan3A_9 : i32
    %scan3A_11 = arith.constant 1 : i32
    scf.for %scan3A_28 = %scan3A_8 to %scan3A_10 step %scan3A_11  : i32 {
      %mul3A_29 = arith.constant 1 : i32
      %mul3A_30 = arith.muli %scan3A_28, %mul3A_29 : i32
      %add3A_31 = arith.constant 0 : i32
      %add3A_32 = arith.addi %add3A_31, %mul3A_30 : i32
      %mul3A_33 = arith.constant 640 : i32
      %mul3A_34 = arith.muli %arg1, %mul3A_33 : i32
      %mul3A_35 = arith.constant 128 : i32
      %mul3A_36 = arith.muli %add3A_32, %mul3A_35 : i32
      %add3A_37 = arith.addi %mul3A_34, %mul3A_36 : i32
      "tpu.region"() ({
        %run_scoped3A = tpu.sem_alloc : memref<!tpu.dma_semaphore, #tpu.memory_space<semaphore_mem>>
        %dma_start3A = arith.constant 0 : i32
        %dma_start3A_38 = tpu.memref_slice %arg4[%add3A_37, %dma_start3A] : memref<10240x16xf32, #tpu.memory_space<vmem_shared>> -> memref<128x16xf32, #tpu.memory_space<vmem_shared>>
        %dma_start3A_39 = arith.constant 0 : i32
        %dma_start3A_40 = tpu.memref_slice %arg4[%add3A_37, %dma_start3A_39] : memref<10240x16xf32, #tpu.memory_space<vmem_shared>> -> memref<128x16xf32, #tpu.memory_space<vmem_shared>>
        tpu.enqueue_dma source(%arg6 : memref<128x16xf32, #tpu.memory_space<vmem>>) target(%dma_start3A_40 : memref<128x16xf32, #tpu.memory_space<vmem_shared>>) target_semaphore(%run_scoped3A : memref<!tpu.dma_semaphore, #tpu.memory_space<semaphore_mem>>)
        %dma_wait3A = arith.constant 0 : i32
        %dma_wait3A_41 = tpu.memref_slice %arg4[%add3A_37, %dma_wait3A] : memref<10240x16xf32, #tpu.memory_space<vmem_shared>> -> memref<128x16xf32, #tpu.memory_space<vmem_shared>>
        %dma_wait3A_42 = arith.constant 0 : i32
        %dma_wait3A_43 = tpu.memref_slice %arg4[%add3A_37, %dma_wait3A_42] : memref<10240x16xf32, #tpu.memory_space<vmem_shared>> -> memref<128x16xf32, #tpu.memory_space<vmem_shared>>
        tpu.wait_dma2 semaphore(%run_scoped3A : memref<!tpu.dma_semaphore, #tpu.memory_space<semaphore_mem>>) src(%arg6 : memref<128x16xf32, #tpu.memory_space<vmem>>) dst(%dma_wait3A_43 : memref<128x16xf32, #tpu.memory_space<vmem_shared>>)
        tpu.yield
      }) : () -> ()
    }
    %scan3A_12 = arith.constant 5 : i32
    %scan3A_13 = arith.constant 0 : i32
    %scan3A_14 = arith.constant 128 : i32
    %scan3A_15 = arith.addi %scan3A_13, %scan3A_14 : i32
    %scan3A_16 = arith.constant 1 : i32
    scf.for %scan3A_28 = %scan3A_13 to %scan3A_15 step %scan3A_16  : i32 {
      %mul3A_29 = arith.constant 1 : i32
      %mul3A_30 = arith.muli %scan3A_28, %mul3A_29 : i32
      %add3A_31 = arith.constant 0 : i32
      %add3A_32 = arith.addi %add3A_31, %mul3A_30 : i32
      %swap3A = arith.index_cast %add3A_32 : i32 to index
      %swap3A_33 = arith.constant 0 : index
      %swap3A_34 = tpu.vector_load %arg6[%swap3A, %swap3A_33] {strides = array<i32>} : memref<128x16xf32, #tpu.memory_space<vmem>>, vector<1x16xf32>,
      %swap3A_35 = vector.shape_cast %swap3A_34 : vector<1x16xf32> to vector<16xf32>
      %swap3A_36 = vector.shape_cast %broadcast_in_dim3A_3 : vector<16xf32> to vector<1x16xf32>
      tpu.vector_store %arg6[%swap3A, %swap3A_33], %swap3A_36 {strides = array<i32>} : memref<128x16xf32, #tpu.memory_space<vmem>>, vector<1x16xf32>,
    }
    %scan3A_17 = arith.constant 128 : i32
    "tpu.region"() ({
      %run_scoped3A = tpu.sem_alloc : memref<!tpu.dma_semaphore, #tpu.memory_space<semaphore_mem>>
      %dma_start3A = arith.constant 0 : i32
      %dma_start3A_28 = arith.constant 0 : i32
      %dma_start3A_29 = tpu.memref_slice %arg2[%add3A, %dma_start3A, %dma_start3A_28] : memref<32x80x128xi32, #tpu.memory_space<hbm>> -> memref<1x80x128xi32, #tpu.memory_space<hbm>>
      %dma_start3A_30 = tpu.memref_squeeze %dma_start3A_29 : memref<1x80x128xi32, #tpu.memory_space<hbm>> -> memref<80x128xi32, #tpu.memory_space<hbm>>
      %dma_start3A_31 = arith.constant 0 : i32
      %dma_start3A_32 = arith.constant 0 : i32
      %dma_start3A_33 = tpu.memref_slice %arg2[%add3A, %dma_start3A_31, %dma_start3A_32] : memref<32x80x128xi32, #tpu.memory_space<hbm>> -> memref<1x80x128xi32, #tpu.memory_space<hbm>>
      %dma_start3A_34 = tpu.memref_squeeze %dma_start3A_33 : memref<1x80x128xi32, #tpu.memory_space<hbm>> -> memref<80x128xi32, #tpu.memory_space<hbm>>
      tpu.enqueue_dma source(%dma_start3A_34 : memref<80x128xi32, #tpu.memory_space<hbm>>) target(%arg5 : memref<80x128xi32, #tpu.memory_space<vmem>>) target_semaphore(%run_scoped3A : memref<!tpu.dma_semaphore, #tpu.memory_space<semaphore_mem>>)
      %dma_wait3A = arith.constant 0 : i32
      %dma_wait3A_35 = arith.constant 0 : i32
      %dma_wait3A_36 = tpu.memref_slice %arg2[%add3A, %dma_wait3A, %dma_wait3A_35] : memref<32x80x128xi32, #tpu.memory_space<hbm>> -> memref<1x80x128xi32, #tpu.memory_space<hbm>>
      %dma_wait3A_37 = tpu.memref_squeeze %dma_wait3A_36 : memref<1x80x128xi32, #tpu.memory_space<hbm>> -> memref<80x128xi32, #tpu.memory_space<hbm>>
      %dma_wait3A_38 = arith.constant 0 : i32
      %dma_wait3A_39 = arith.constant 0 : i32
      %dma_wait3A_40 = tpu.memref_slice %arg2[%add3A, %dma_wait3A_38, %dma_wait3A_39] : memref<32x80x128xi32, #tpu.memory_space<hbm>> -> memref<1x80x128xi32, #tpu.memory_space<hbm>>
      %dma_wait3A_41 = tpu.memref_squeeze %dma_wait3A_40 : memref<1x80x128xi32, #tpu.memory_space<hbm>> -> memref<80x128xi32, #tpu.memory_space<hbm>>
      tpu.wait_dma2 semaphore(%run_scoped3A : memref<!tpu.dma_semaphore, #tpu.memory_space<semaphore_mem>>) src(%dma_wait3A_41 : memref<80x128xi32, #tpu.memory_space<hbm>>) dst(%arg5 : memref<80x128xi32, #tpu.memory_space<vmem>>)
      tpu.yield
    }) : () -> ()
    %barrier3A = arith.constant 0 : index
    tpu.barrier barrier_id(%barrier3A)
    %scan3A_18 = arith.constant 0 : i32
    %scan3A_19 = arith.constant 80 : i32
    %scan3A_20 = arith.addi %scan3A_18, %scan3A_19 : i32
    %scan3A_21 = arith.constant 1 : i32
    scf.for %scan3A_28 = %scan3A_18 to %scan3A_20 step %scan3A_21  : i32 {
      %mul3A_29 = arith.constant 1 : i32
      %mul3A_30 = arith.muli %scan3A_28, %mul3A_29 : i32
      %add3A_31 = arith.constant 0 : i32
      %add3A_32 = arith.addi %add3A_31, %mul3A_30 : i32
      "tpu.region"() ({
        %run_scoped3A = tpu.sem_alloc : memref<!tpu.dma_semaphore, #tpu.memory_space<semaphore_mem>>
        %dma_start3A = arith.constant 0 : i32
        %dma_start3A_33 = tpu.memref_slice %arg5[%add3A_32, %dma_start3A] : memref<80x128xi32, #tpu.memory_space<vmem>> -> memref<1x128xi32, #tpu.memory_space<vmem>>
        %dma_start3A_34 = tpu.memref_squeeze %dma_start3A_33 : memref<1x128xi32, #tpu.memory_space<vmem>> -> memref<128xi32, #tpu.memory_space<vmem>>
        %dma_start3A_35 = arith.constant 0 : i32
        %dma_start3A_36 = arith.constant 0 : i32
        %dma_start3A_37 = tpu.memref_slice %arg4[%dma_start3A_35, %dma_start3A_36] : memref<10240x16xf32, #tpu.memory_space<vmem_shared>> -> memref<10240x16xf32, #tpu.memory_space<vmem_shared>>
        tpu.enqueue_indirect_dma source(%arg6 : memref<128x16xf32, #tpu.memory_space<vmem>>) target(%dma_start3A_37 : memref<10240x16xf32, #tpu.memory_space<vmem_shared>>) offsets(%dma_start3A_34 : memref<128xi32, #tpu.memory_space<vmem>>) semaphore(%run_scoped3A : memref<!tpu.dma_semaphore, #tpu.memory_space<semaphore_mem>>) {add = true}
        %dma_wait3A = arith.constant 0 : i32
        %dma_wait3A_38 = tpu.memref_slice %arg5[%add3A_32, %dma_wait3A] : memref<80x128xi32, #tpu.memory_space<vmem>> -> memref<1x128xi32, #tpu.memory_space<vmem>>
        %dma_wait3A_39 = tpu.memref_squeeze %dma_wait3A_38 : memref<1x128xi32, #tpu.memory_space<vmem>> -> memref<128xi32, #tpu.memory_space<vmem>>
        %dma_wait3A_40 = arith.constant 0 : i32
        %dma_wait3A_41 = arith.constant 0 : i32
        %dma_wait3A_42 = tpu.memref_slice %arg4[%dma_wait3A_40, %dma_wait3A_41] : memref<10240x16xf32, #tpu.memory_space<vmem_shared>> -> memref<10240x16xf32, #tpu.memory_space<vmem_shared>>
        tpu.wait_indirect_dma semaphore(%run_scoped3A : memref<!tpu.dma_semaphore, #tpu.memory_space<semaphore_mem>>) src(%arg6 : memref<128x16xf32, #tpu.memory_space<vmem>>) dst(%dma_wait3A_42 : memref<10240x16xf32, #tpu.memory_space<vmem_shared>>)
        tpu.yield
      }) : () -> ()
    }
    %scan3A_22 = arith.constant 80 : i32
    %barrier3A_23 = arith.constant 0 : index
    tpu.barrier barrier_id(%barrier3A_23)
    %mul3A_24 = arith.constant 640 : i32
    %mul3A_25 = arith.muli %arg1, %mul3A_24 : i32
    %mul3A_26 = arith.constant 640 : i32
    %mul3A_27 = arith.muli %arg1, %mul3A_26 : i32
    "tpu.region"() ({
      %run_scoped3A = tpu.sem_alloc : memref<!tpu.dma_semaphore, #tpu.memory_space<semaphore_mem>>
      %dma_start3A = arith.constant 0 : i32
      %dma_start3A_28 = tpu.memref_slice %arg3[%arg0, %mul3A_27, %dma_start3A] : memref<2x10240x16xf32, #tpu.memory_space<hbm>> -> memref<1x640x16xf32, #tpu.memory_space<hbm>>
      %dma_start3A_29 = tpu.memref_squeeze %dma_start3A_28 : memref<1x640x16xf32, #tpu.memory_space<hbm>> -> memref<640x16xf32, #tpu.memory_space<hbm>>
      %dma_start3A_30 = arith.constant 0 : i32
      %dma_start3A_31 = tpu.memref_slice %arg4[%mul3A_25, %dma_start3A_30] : memref<10240x16xf32, #tpu.memory_space<vmem_shared>> -> memref<640x16xf32, #tpu.memory_space<vmem_shared>>
      tpu.enqueue_dma source(%dma_start3A_31 : memref<640x16xf32, #tpu.memory_space<vmem_shared>>) target(%dma_start3A_29 : memref<640x16xf32, #tpu.memory_space<hbm>>) target_semaphore(%run_scoped3A : memref<!tpu.dma_semaphore, #tpu.memory_space<semaphore_mem>>)
      %dma_wait3A = arith.constant 0 : i32
      %dma_wait3A_32 = tpu.memref_slice %arg3[%arg0, %mul3A_27, %dma_wait3A] : memref<2x10240x16xf32, #tpu.memory_space<hbm>> -> memref<1x640x16xf32, #tpu.memory_space<hbm>>
      %dma_wait3A_33 = tpu.memref_squeeze %dma_wait3A_32 : memref<1x640x16xf32, #tpu.memory_space<hbm>> -> memref<640x16xf32, #tpu.memory_space<hbm>>
      %dma_wait3A_34 = arith.constant 0 : i32
      %dma_wait3A_35 = tpu.memref_slice %arg4[%mul3A_25, %dma_wait3A_34] : memref<10240x16xf32, #tpu.memory_space<vmem_shared>> -> memref<640x16xf32, #tpu.memory_space<vmem_shared>>
      tpu.wait_dma2 semaphore(%run_scoped3A : memref<!tpu.dma_semaphore, #tpu.memory_space<semaphore_mem>>) src(%dma_wait3A_35 : memref<640x16xf32, #tpu.memory_space<vmem_shared>>) dst(%dma_wait3A_33 : memref<640x16xf32, #tpu.memory_space<hbm>>)
      tpu.yield
    }) : () -> ()
    return
  }
}

#map = affine_map<(d0, d1) -> (0, 0)>
#map1 = affine_map<(d0, d1) -> (0, 0, 0)>
module attributes {stable_mosaic.version = 14 : i64} {
  func.func @prop_kernel(%arg0: i32, %arg1: i32, %arg2: memref<10240x128xf32, #tpu.memory_space<hbm>>, %arg3: memref<32x80x128xi32, #tpu.memory_space<hbm>>, %arg4: memref<32x80x128xi32, #tpu.memory_space<hbm>>, %arg5: memref<2x10240x128xf32, #tpu.memory_space<hbm>>, %arg6: memref<10240x128xf32, #tpu.memory_space<vmem_shared>>, %arg7: memref<80x128xi32, #tpu.memory_space<vmem>>, %arg8: memref<80x128xi32, #tpu.memory_space<vmem>>, %arg9: memref<128x128xf32, #tpu.memory_space<vmem>>, %arg10: memref<!tpu.dma_semaphore, #tpu.memory_space<semaphore_mem>>) attributes {dimension_semantics = [#tpu.dimension_semantics<core_parallel>, #tpu.dimension_semantics<subcore_parallel>], iteration_bounds = array<i64: 2, 16>, scalar_prefetch = 0 : i64, scratch_operands = 5 : i64, tpu.core_type = #tpu.core_type<sc_vector_subcore>, window_params = [{transform_indices = #map}, {transform_indices = #map1}, {transform_indices = #map1}, {transform_indices = #map1}]} {
    %mul3A = arith.constant 2 : i32
    %mul3A_0 = arith.muli %arg1, %mul3A : i32
    %add3A = arith.addi %mul3A_0, %arg0 : i32
    %broadcast_in_dim3A = arith.constant 0.000000e+00 : f32
    %broadcast_in_dim3A_1 = vector.broadcast %broadcast_in_dim3A : f32 to vector<16xf32>
    %scan3A = arith.constant 0 : i32
    %scan3A_2 = arith.constant 128 : i32
    %scan3A_3 = arith.addi %scan3A, %scan3A_2 : i32
    %scan3A_4 = arith.constant 1 : i32
    scf.for %scan3A_21 = %scan3A to %scan3A_3 step %scan3A_4  : i32 {
      %mul3A_22 = arith.constant 1 : i32
      %mul3A_23 = arith.muli %scan3A_21, %mul3A_22 : i32
      %add3A_24 = arith.constant 0 : i32
      %add3A_25 = arith.addi %add3A_24, %mul3A_23 : i32
      %scan3A_26 = arith.constant 0 : i32
      %scan3A_27 = arith.constant 8 : i32
      %scan3A_28 = arith.addi %scan3A_26, %scan3A_27 : i32
      %scan3A_29 = arith.constant 1 : i32
      scf.for %scan3A_31 = %scan3A_26 to %scan3A_28 step %scan3A_29  : i32 {
        %mul3A_32 = arith.constant 1 : i32
        %mul3A_33 = arith.muli %scan3A_31, %mul3A_32 : i32
        %add3A_34 = arith.constant 0 : i32
        %add3A_35 = arith.addi %add3A_34, %mul3A_33 : i32
        %mul3A_36 = arith.constant 16 : i32
        %mul3A_37 = arith.muli %add3A_35, %mul3A_36 : i32
        %swap3A = arith.index_cast %add3A_25 : i32 to index
        %swap3A_38 = arith.index_cast %mul3A_37 : i32 to index
        %swap3A_39 = tpu.vector_load %arg9[%swap3A, %swap3A_38] {strides = array<i32>} : memref<128x128xf32, #tpu.memory_space<vmem>>, vector<1x16xf32>,
        %swap3A_40 = vector.shape_cast %swap3A_39 : vector<1x16xf32> to vector<16xf32>
        %swap3A_41 = vector.shape_cast %broadcast_in_dim3A_1 : vector<16xf32> to vector<1x16xf32>
        tpu.vector_store %arg9[%swap3A, %swap3A_38], %swap3A_41 {strides = array<i32>} : memref<128x128xf32, #tpu.memory_space<vmem>>, vector<1x16xf32>,
      }
      %scan3A_30 = arith.constant 8 : i32
    }
    %scan3A_5 = arith.constant 128 : i32
    %scan3A_6 = arith.constant 0 : i32
    %scan3A_7 = arith.constant 5 : i32
    %scan3A_8 = arith.addi %scan3A_6, %scan3A_7 : i32
    %scan3A_9 = arith.constant 1 : i32
    scf.for %scan3A_21 = %scan3A_6 to %scan3A_8 step %scan3A_9  : i32 {
      %mul3A_22 = arith.constant 1 : i32
      %mul3A_23 = arith.muli %scan3A_21, %mul3A_22 : i32
      %add3A_24 = arith.constant 0 : i32
      %add3A_25 = arith.addi %add3A_24, %mul3A_23 : i32
      %mul3A_26 = arith.constant 640 : i32
      %mul3A_27 = arith.muli %arg1, %mul3A_26 : i32
      %mul3A_28 = arith.constant 128 : i32
      %mul3A_29 = arith.muli %add3A_25, %mul3A_28 : i32
      %add3A_30 = arith.addi %mul3A_27, %mul3A_29 : i32
      "tpu.region"() ({
        %run_scoped3A = tpu.sem_alloc : memref<!tpu.dma_semaphore, #tpu.memory_space<semaphore_mem>>
        %dma_start3A = arith.constant 0 : i32
        %dma_start3A_31 = tpu.memref_slice %arg6[%add3A_30, %dma_start3A] : memref<10240x128xf32, #tpu.memory_space<vmem_shared>> -> memref<128x128xf32, #tpu.memory_space<vmem_shared>>
        %dma_start3A_32 = arith.constant 0 : i32
        %dma_start3A_33 = tpu.memref_slice %arg6[%add3A_30, %dma_start3A_32] : memref<10240x128xf32, #tpu.memory_space<vmem_shared>> -> memref<128x128xf32, #tpu.memory_space<vmem_shared>>
        tpu.enqueue_dma source(%arg9 : memref<128x128xf32, #tpu.memory_space<vmem>>) target(%dma_start3A_33 : memref<128x128xf32, #tpu.memory_space<vmem_shared>>) target_semaphore(%run_scoped3A : memref<!tpu.dma_semaphore, #tpu.memory_space<semaphore_mem>>)
        %dma_wait3A = arith.constant 0 : i32
        %dma_wait3A_34 = tpu.memref_slice %arg6[%add3A_30, %dma_wait3A] : memref<10240x128xf32, #tpu.memory_space<vmem_shared>> -> memref<128x128xf32, #tpu.memory_space<vmem_shared>>
        %dma_wait3A_35 = arith.constant 0 : i32
        %dma_wait3A_36 = tpu.memref_slice %arg6[%add3A_30, %dma_wait3A_35] : memref<10240x128xf32, #tpu.memory_space<vmem_shared>> -> memref<128x128xf32, #tpu.memory_space<vmem_shared>>
        tpu.wait_dma2 semaphore(%run_scoped3A : memref<!tpu.dma_semaphore, #tpu.memory_space<semaphore_mem>>) src(%arg9 : memref<128x128xf32, #tpu.memory_space<vmem>>) dst(%dma_wait3A_36 : memref<128x128xf32, #tpu.memory_space<vmem_shared>>)
        tpu.yield
      }) : () -> ()
    }
    %scan3A_10 = arith.constant 5 : i32
    "tpu.region"() ({
      %run_scoped3A = tpu.sem_alloc : memref<!tpu.dma_semaphore, #tpu.memory_space<semaphore_mem>>
      %dma_start3A = arith.constant 0 : i32
      %dma_start3A_21 = arith.constant 0 : i32
      %dma_start3A_22 = tpu.memref_slice %arg3[%add3A, %dma_start3A, %dma_start3A_21] : memref<32x80x128xi32, #tpu.memory_space<hbm>> -> memref<1x80x128xi32, #tpu.memory_space<hbm>>
      %dma_start3A_23 = tpu.memref_squeeze %dma_start3A_22 : memref<1x80x128xi32, #tpu.memory_space<hbm>> -> memref<80x128xi32, #tpu.memory_space<hbm>>
      %dma_start3A_24 = arith.constant 0 : i32
      %dma_start3A_25 = arith.constant 0 : i32
      %dma_start3A_26 = tpu.memref_slice %arg3[%add3A, %dma_start3A_24, %dma_start3A_25] : memref<32x80x128xi32, #tpu.memory_space<hbm>> -> memref<1x80x128xi32, #tpu.memory_space<hbm>>
      %dma_start3A_27 = tpu.memref_squeeze %dma_start3A_26 : memref<1x80x128xi32, #tpu.memory_space<hbm>> -> memref<80x128xi32, #tpu.memory_space<hbm>>
      tpu.enqueue_dma source(%dma_start3A_27 : memref<80x128xi32, #tpu.memory_space<hbm>>) target(%arg7 : memref<80x128xi32, #tpu.memory_space<vmem>>) target_semaphore(%run_scoped3A : memref<!tpu.dma_semaphore, #tpu.memory_space<semaphore_mem>>)
      %dma_wait3A = arith.constant 0 : i32
      %dma_wait3A_28 = arith.constant 0 : i32
      %dma_wait3A_29 = tpu.memref_slice %arg3[%add3A, %dma_wait3A, %dma_wait3A_28] : memref<32x80x128xi32, #tpu.memory_space<hbm>> -> memref<1x80x128xi32, #tpu.memory_space<hbm>>
      %dma_wait3A_30 = tpu.memref_squeeze %dma_wait3A_29 : memref<1x80x128xi32, #tpu.memory_space<hbm>> -> memref<80x128xi32, #tpu.memory_space<hbm>>
      %dma_wait3A_31 = arith.constant 0 : i32
      %dma_wait3A_32 = arith.constant 0 : i32
      %dma_wait3A_33 = tpu.memref_slice %arg3[%add3A, %dma_wait3A_31, %dma_wait3A_32] : memref<32x80x128xi32, #tpu.memory_space<hbm>> -> memref<1x80x128xi32, #tpu.memory_space<hbm>>
      %dma_wait3A_34 = tpu.memref_squeeze %dma_wait3A_33 : memref<1x80x128xi32, #tpu.memory_space<hbm>> -> memref<80x128xi32, #tpu.memory_space<hbm>>
      tpu.wait_dma2 semaphore(%run_scoped3A : memref<!tpu.dma_semaphore, #tpu.memory_space<semaphore_mem>>) src(%dma_wait3A_34 : memref<80x128xi32, #tpu.memory_space<hbm>>) dst(%arg7 : memref<80x128xi32, #tpu.memory_space<vmem>>)
      tpu.yield
    }) : () -> ()
    "tpu.region"() ({
      %run_scoped3A = tpu.sem_alloc : memref<!tpu.dma_semaphore, #tpu.memory_space<semaphore_mem>>
      %dma_start3A = arith.constant 0 : i32
      %dma_start3A_21 = arith.constant 0 : i32
      %dma_start3A_22 = tpu.memref_slice %arg4[%add3A, %dma_start3A, %dma_start3A_21] : memref<32x80x128xi32, #tpu.memory_space<hbm>> -> memref<1x80x128xi32, #tpu.memory_space<hbm>>
      %dma_start3A_23 = tpu.memref_squeeze %dma_start3A_22 : memref<1x80x128xi32, #tpu.memory_space<hbm>> -> memref<80x128xi32, #tpu.memory_space<hbm>>
      %dma_start3A_24 = arith.constant 0 : i32
      %dma_start3A_25 = arith.constant 0 : i32
      %dma_start3A_26 = tpu.memref_slice %arg4[%add3A, %dma_start3A_24, %dma_start3A_25] : memref<32x80x128xi32, #tpu.memory_space<hbm>> -> memref<1x80x128xi32, #tpu.memory_space<hbm>>
      %dma_start3A_27 = tpu.memref_squeeze %dma_start3A_26 : memref<1x80x128xi32, #tpu.memory_space<hbm>> -> memref<80x128xi32, #tpu.memory_space<hbm>>
      tpu.enqueue_dma source(%dma_start3A_27 : memref<80x128xi32, #tpu.memory_space<hbm>>) target(%arg8 : memref<80x128xi32, #tpu.memory_space<vmem>>) target_semaphore(%run_scoped3A : memref<!tpu.dma_semaphore, #tpu.memory_space<semaphore_mem>>)
      %dma_wait3A = arith.constant 0 : i32
      %dma_wait3A_28 = arith.constant 0 : i32
      %dma_wait3A_29 = tpu.memref_slice %arg4[%add3A, %dma_wait3A, %dma_wait3A_28] : memref<32x80x128xi32, #tpu.memory_space<hbm>> -> memref<1x80x128xi32, #tpu.memory_space<hbm>>
      %dma_wait3A_30 = tpu.memref_squeeze %dma_wait3A_29 : memref<1x80x128xi32, #tpu.memory_space<hbm>> -> memref<80x128xi32, #tpu.memory_space<hbm>>
      %dma_wait3A_31 = arith.constant 0 : i32
      %dma_wait3A_32 = arith.constant 0 : i32
      %dma_wait3A_33 = tpu.memref_slice %arg4[%add3A, %dma_wait3A_31, %dma_wait3A_32] : memref<32x80x128xi32, #tpu.memory_space<hbm>> -> memref<1x80x128xi32, #tpu.memory_space<hbm>>
      %dma_wait3A_34 = tpu.memref_squeeze %dma_wait3A_33 : memref<1x80x128xi32, #tpu.memory_space<hbm>> -> memref<80x128xi32, #tpu.memory_space<hbm>>
      tpu.wait_dma2 semaphore(%run_scoped3A : memref<!tpu.dma_semaphore, #tpu.memory_space<semaphore_mem>>) src(%dma_wait3A_34 : memref<80x128xi32, #tpu.memory_space<hbm>>) dst(%arg8 : memref<80x128xi32, #tpu.memory_space<vmem>>)
      tpu.yield
    }) : () -> ()
    %barrier3A = arith.constant 0 : index
    tpu.barrier barrier_id(%barrier3A)
    %scan3A_11 = arith.constant 0 : i32
    %scan3A_12 = arith.constant 80 : i32
    %scan3A_13 = arith.addi %scan3A_11, %scan3A_12 : i32
    %scan3A_14 = arith.constant 1 : i32
    scf.for %scan3A_21 = %scan3A_11 to %scan3A_13 step %scan3A_14  : i32 {
      %mul3A_22 = arith.constant 1 : i32
      %mul3A_23 = arith.muli %scan3A_21, %mul3A_22 : i32
      %add3A_24 = arith.constant 0 : i32
      %add3A_25 = arith.addi %add3A_24, %mul3A_23 : i32
      %dma_start3A = arith.constant 0 : i32
      %dma_start3A_26 = tpu.memref_slice %arg7[%add3A_25, %dma_start3A] : memref<80x128xi32, #tpu.memory_space<vmem>> -> memref<1x128xi32, #tpu.memory_space<vmem>>
      %dma_start3A_27 = tpu.memref_squeeze %dma_start3A_26 : memref<1x128xi32, #tpu.memory_space<vmem>> -> memref<128xi32, #tpu.memory_space<vmem>>
      %dma_start3A_28 = arith.constant 0 : i32
      %dma_start3A_29 = arith.constant 0 : i32
      %dma_start3A_30 = tpu.memref_slice %arg2[%dma_start3A_28, %dma_start3A_29] : memref<10240x128xf32, #tpu.memory_space<hbm>> -> memref<10240x128xf32, #tpu.memory_space<hbm>>
      tpu.enqueue_indirect_dma source(%dma_start3A_30 : memref<10240x128xf32, #tpu.memory_space<hbm>>) target(%arg9 : memref<128x128xf32, #tpu.memory_space<vmem>>) offsets(%dma_start3A_27 : memref<128xi32, #tpu.memory_space<vmem>>) semaphore(%arg10 : memref<!tpu.dma_semaphore, #tpu.memory_space<semaphore_mem>>)
      %dma_wait3A = arith.constant 0 : i32
      %dma_wait3A_31 = tpu.memref_slice %arg7[%add3A_25, %dma_wait3A] : memref<80x128xi32, #tpu.memory_space<vmem>> -> memref<1x128xi32, #tpu.memory_space<vmem>>
      %dma_wait3A_32 = tpu.memref_squeeze %dma_wait3A_31 : memref<1x128xi32, #tpu.memory_space<vmem>> -> memref<128xi32, #tpu.memory_space<vmem>>
      %dma_wait3A_33 = arith.constant 0 : i32
      %dma_wait3A_34 = arith.constant 0 : i32
      %dma_wait3A_35 = tpu.memref_slice %arg2[%dma_wait3A_33, %dma_wait3A_34] : memref<10240x128xf32, #tpu.memory_space<hbm>> -> memref<10240x128xf32, #tpu.memory_space<hbm>>
      tpu.wait_indirect_dma semaphore(%arg10 : memref<!tpu.dma_semaphore, #tpu.memory_space<semaphore_mem>>) src(%dma_wait3A_35 : memref<10240x128xf32, #tpu.memory_space<hbm>>) dst(%arg9 : memref<128x128xf32, #tpu.memory_space<vmem>>)
      "tpu.region"() ({
        %run_scoped3A = tpu.sem_alloc : memref<!tpu.dma_semaphore, #tpu.memory_space<semaphore_mem>>
        %dma_start3A_36 = arith.constant 0 : i32
        %dma_start3A_37 = tpu.memref_slice %arg8[%add3A_25, %dma_start3A_36] : memref<80x128xi32, #tpu.memory_space<vmem>> -> memref<1x128xi32, #tpu.memory_space<vmem>>
        %dma_start3A_38 = tpu.memref_squeeze %dma_start3A_37 : memref<1x128xi32, #tpu.memory_space<vmem>> -> memref<128xi32, #tpu.memory_space<vmem>>
        %dma_start3A_39 = arith.constant 0 : i32
        %dma_start3A_40 = arith.constant 0 : i32
        %dma_start3A_41 = tpu.memref_slice %arg6[%dma_start3A_39, %dma_start3A_40] : memref<10240x128xf32, #tpu.memory_space<vmem_shared>> -> memref<10240x128xf32, #tpu.memory_space<vmem_shared>>
        tpu.enqueue_indirect_dma source(%arg9 : memref<128x128xf32, #tpu.memory_space<vmem>>) target(%dma_start3A_41 : memref<10240x128xf32, #tpu.memory_space<vmem_shared>>) offsets(%dma_start3A_38 : memref<128xi32, #tpu.memory_space<vmem>>) semaphore(%run_scoped3A : memref<!tpu.dma_semaphore, #tpu.memory_space<semaphore_mem>>) {add = true}
        %dma_wait3A_42 = arith.constant 0 : i32
        %dma_wait3A_43 = tpu.memref_slice %arg8[%add3A_25, %dma_wait3A_42] : memref<80x128xi32, #tpu.memory_space<vmem>> -> memref<1x128xi32, #tpu.memory_space<vmem>>
        %dma_wait3A_44 = tpu.memref_squeeze %dma_wait3A_43 : memref<1x128xi32, #tpu.memory_space<vmem>> -> memref<128xi32, #tpu.memory_space<vmem>>
        %dma_wait3A_45 = arith.constant 0 : i32
        %dma_wait3A_46 = arith.constant 0 : i32
        %dma_wait3A_47 = tpu.memref_slice %arg6[%dma_wait3A_45, %dma_wait3A_46] : memref<10240x128xf32, #tpu.memory_space<vmem_shared>> -> memref<10240x128xf32, #tpu.memory_space<vmem_shared>>
        tpu.wait_indirect_dma semaphore(%run_scoped3A : memref<!tpu.dma_semaphore, #tpu.memory_space<semaphore_mem>>) src(%arg9 : memref<128x128xf32, #tpu.memory_space<vmem>>) dst(%dma_wait3A_47 : memref<10240x128xf32, #tpu.memory_space<vmem_shared>>)
        tpu.yield
      }) : () -> ()
    }
    %scan3A_15 = arith.constant 80 : i32
    %barrier3A_16 = arith.constant 0 : index
    tpu.barrier barrier_id(%barrier3A_16)
    %mul3A_17 = arith.constant 640 : i32
    %mul3A_18 = arith.muli %arg1, %mul3A_17 : i32
    %mul3A_19 = arith.constant 640 : i32
    %mul3A_20 = arith.muli %arg1, %mul3A_19 : i32
    "tpu.region"() ({
      %run_scoped3A = tpu.sem_alloc : memref<!tpu.dma_semaphore, #tpu.memory_space<semaphore_mem>>
      %dma_start3A = arith.constant 0 : i32
      %dma_start3A_21 = tpu.memref_slice %arg5[%arg0, %mul3A_20, %dma_start3A] : memref<2x10240x128xf32, #tpu.memory_space<hbm>> -> memref<1x640x128xf32, #tpu.memory_space<hbm>>
      %dma_start3A_22 = tpu.memref_squeeze %dma_start3A_21 : memref<1x640x128xf32, #tpu.memory_space<hbm>> -> memref<640x128xf32, #tpu.memory_space<hbm>>
      %dma_start3A_23 = arith.constant 0 : i32
      %dma_start3A_24 = tpu.memref_slice %arg6[%mul3A_18, %dma_start3A_23] : memref<10240x128xf32, #tpu.memory_space<vmem_shared>> -> memref<640x128xf32, #tpu.memory_space<vmem_shared>>
      tpu.enqueue_dma source(%dma_start3A_24 : memref<640x128xf32, #tpu.memory_space<vmem_shared>>) target(%dma_start3A_22 : memref<640x128xf32, #tpu.memory_space<hbm>>) target_semaphore(%run_scoped3A : memref<!tpu.dma_semaphore, #tpu.memory_space<semaphore_mem>>)
      %dma_wait3A = arith.constant 0 : i32
      %dma_wait3A_25 = tpu.memref_slice %arg5[%arg0, %mul3A_20, %dma_wait3A] : memref<2x10240x128xf32, #tpu.memory_space<hbm>> -> memref<1x640x128xf32, #tpu.memory_space<hbm>>
      %dma_wait3A_26 = tpu.memref_squeeze %dma_wait3A_25 : memref<1x640x128xf32, #tpu.memory_space<hbm>> -> memref<640x128xf32, #tpu.memory_space<hbm>>
      %dma_wait3A_27 = arith.constant 0 : i32
      %dma_wait3A_28 = tpu.memref_slice %arg6[%mul3A_18, %dma_wait3A_27] : memref<10240x128xf32, #tpu.memory_space<vmem_shared>> -> memref<640x128xf32, #tpu.memory_space<vmem_shared>>
      tpu.wait_dma2 semaphore(%run_scoped3A : memref<!tpu.dma_semaphore, #tpu.memory_space<semaphore_mem>>) src(%dma_wait3A_28 : memref<640x128xf32, #tpu.memory_space<vmem_shared>>) dst(%dma_wait3A_26 : memref<640x128xf32, #tpu.memory_space<hbm>>)
      tpu.yield
    }) : () -> ()
    return
  }
}

module attributes {stable_mosaic.version = 14 : i64} {
  func.func @_tc_first_body(%arg0: i32, %arg1: memref<1024x128xf32, #tpu.memory_space<vmem>>, %arg2: memref<128x128xf32, #tpu.memory_space<vmem>>, %arg3: memref<1024x128xf32, #tpu.memory_space<vmem>>, %arg4: memref<1024x128xf32, #tpu.memory_space<vmem>>) attributes {dimension_semantics = [#tpu.dimension_semantics<arbitrary>], iteration_bounds = array<i64: 10>, scalar_prefetch = 0 : i64, scratch_operands = 0 : i64, tpu.core_type = #tpu.core_type<tc>, window_params = [{transform_indices = @transform_0, window_bounds = array<i64: 1024, 128>}, {pipeline_mode = #tpu.pipeline_mode<synchronous>, transform_indices = @transform_1, window_bounds = array<i64: 128, 128>}, {transform_indices = @transform_2, window_bounds = array<i64: 1024, 128>}, {transform_indices = @transform_3, window_bounds = array<i64: 1024, 128>}]} {
    %get3A = arith.constant 0 : index
    %get3A_0 = arith.constant 0 : index
    %get3A_1 = vector.load %arg1[%get3A, %get3A_0] : memref<1024x128xf32, #tpu.memory_space<vmem>>, vector<1024x128xf32>
    %get3A_2 = arith.constant 0 : index
    %get3A_3 = arith.constant 0 : index
    %get3A_4 = vector.load %arg2[%get3A_2, %get3A_3] : memref<128x128xf32, #tpu.memory_space<vmem>>, vector<128x128xf32>
    %dot_general3A = arith.constant dense<0.000000e+00> : vector<1024x128xf32>
    %dot_general3A_5 = tpu.matmul %get3A_1, %get3A_4, %dot_general3A {dimension_numbers = #tpu.dot_dimension_numbers<[1], [0], [0], [1], [0, 0, 1, 1], [], []>, transpose_lhs_hint = false} : vector<1024x128xf32>, vector<128x128xf32>, vector<1024x128xf32> -> vector<1024x128xf32>
    %get3A_6 = arith.constant 0 : index
    %get3A_7 = arith.constant 0 : index
    %get3A_8 = vector.load %arg3[%get3A_6, %get3A_7] : memref<1024x128xf32, #tpu.memory_space<vmem>>, vector<1024x128xf32>
    %mul3A = arith.mulf %dot_general3A_5, %get3A_8 : vector<1024x128xf32>
    %swap3A = arith.constant 0 : index
    %swap3A_9 = arith.constant 0 : index
    %swap3A_10 = vector.load %arg4[%swap3A, %swap3A_9] : memref<1024x128xf32, #tpu.memory_space<vmem>>, vector<1024x128xf32>
    tpu.vector_store %arg4[%swap3A, %swap3A_9], %mul3A {strides = array<i32>} : memref<1024x128xf32, #tpu.memory_space<vmem>>, vector<1024x128xf32>,
    return
  }
  func.func @transform_0(%arg0: i32) -> (i32, i32) {
    %c0_i32 = arith.constant 0 : i32
    %c0_i32_0 = arith.constant 0 : i32
    return %arg0, %c0_i32 : i32, i32
  }
  func.func @transform_1(%arg0: i32) -> (i32, i32) {
    %c0_i32 = arith.constant 0 : i32
    %c0_i32_0 = arith.constant 0 : i32
    %c0_i32_1 = arith.constant 0 : i32
    return %c0_i32, %c0_i32_0 : i32, i32
  }
  func.func @transform_2(%arg0: i32) -> (i32, i32) {
    %c0_i32 = arith.constant 0 : i32
    %c0_i32_0 = arith.constant 0 : i32
    return %arg0, %c0_i32 : i32, i32
  }
  func.func @transform_3(%arg0: i32) -> (i32, i32) {
    %c0_i32 = arith.constant 0 : i32
    %c0_i32_0 = arith.constant 0 : i32
    return %arg0, %c0_i32 : i32, i32
  }
}

module attributes {stable_mosaic.version = 14 : i64} {
  func.func @_tc_mid_body(%arg0: i32, %arg1: memref<2x1024x128xf32, #tpu.memory_space<vmem>>, %arg2: memref<1024x128xf32, #tpu.memory_space<vmem>>, %arg3: memref<1024x128xf32, #tpu.memory_space<vmem>>, %arg4: memref<1x128xf32, #tpu.memory_space<vmem>>, %arg5: memref<128x128xf32, #tpu.memory_space<vmem>>, %arg6: memref<1024x128xf32, #tpu.memory_space<vmem>>) attributes {dimension_semantics = [#tpu.dimension_semantics<arbitrary>], iteration_bounds = array<i64: 10>, scalar_prefetch = 0 : i64, scratch_operands = 0 : i64, tpu.core_type = #tpu.core_type<tc>, window_params = [{transform_indices = @transform_0, window_bounds = array<i64: 2, 1024, 128>}, {transform_indices = @transform_1, window_bounds = array<i64: 1024, 128>}, {transform_indices = @transform_2, window_bounds = array<i64: 1024, 128>}, {pipeline_mode = #tpu.pipeline_mode<synchronous>, transform_indices = @transform_3, window_bounds = array<i64: 1, 128>}, {pipeline_mode = #tpu.pipeline_mode<synchronous>, transform_indices = @transform_4, window_bounds = array<i64: 128, 128>}, {transform_indices = @transform_5, window_bounds = array<i64: 1024, 128>}]} {
    %get3A = arith.constant 0 : index
    %get3A_0 = arith.constant 0 : index
    %get3A_1 = arith.constant 0 : index
    %get3A_2 = vector.load %arg1[%get3A, %get3A_0, %get3A_1] : memref<2x1024x128xf32, #tpu.memory_space<vmem>>, vector<1x1024x128xf32>
    %get3A_3 = vector.shape_cast %get3A_2 : vector<1x1024x128xf32> to vector<1024x128xf32>
    %get3A_4 = arith.constant 1 : index
    %get3A_5 = arith.constant 0 : index
    %get3A_6 = arith.constant 0 : index
    %get3A_7 = vector.load %arg1[%get3A_4, %get3A_5, %get3A_6] : memref<2x1024x128xf32, #tpu.memory_space<vmem>>, vector<1x1024x128xf32>
    %get3A_8 = vector.shape_cast %get3A_7 : vector<1x1024x128xf32> to vector<1024x128xf32>
    %add3A = arith.addf %get3A_3, %get3A_8 : vector<1024x128xf32>
    %get3A_9 = arith.constant 0 : index
    %get3A_10 = arith.constant 0 : index
    %get3A_11 = vector.load %arg2[%get3A_9, %get3A_10] : memref<1024x128xf32, #tpu.memory_space<vmem>>, vector<1024x128xf32>
    %add3A_12 = arith.addf %add3A, %get3A_11 : vector<1024x128xf32>
    %get3A_13 = arith.constant 0 : index
    %get3A_14 = arith.constant 0 : index
    %get3A_15 = vector.load %arg3[%get3A_13, %get3A_14] : memref<1024x128xf32, #tpu.memory_space<vmem>>, vector<1024x128xf32>
    %mul3A = arith.mulf %add3A_12, %get3A_15 : vector<1024x128xf32>
    %get3A_16 = arith.constant 0 : index
    %get3A_17 = arith.constant 0 : index
    %get3A_18 = vector.load %arg4[%get3A_16, %get3A_17] : memref<1x128xf32, #tpu.memory_space<vmem>>, vector<1x128xf32>
    %add3A_19 = vector.broadcast %get3A_18 : vector<1x128xf32> to vector<1024x128xf32>
    %add3A_20 = arith.addf %mul3A, %add3A_19 : vector<1024x128xf32>
    %max3A = arith.constant 0.000000e+00 : f32
    %max3A_21 = vector.broadcast %max3A : f32 to vector<1024x128xf32>
    %max3A_22 = arith.maximumf %add3A_20, %max3A_21 : vector<1024x128xf32>
    %get3A_23 = arith.constant 0 : index
    %get3A_24 = arith.constant 0 : index
    %get3A_25 = vector.load %arg5[%get3A_23, %get3A_24] : memref<128x128xf32, #tpu.memory_space<vmem>>, vector<128x128xf32>
    %dot_general3A = arith.constant dense<0.000000e+00> : vector<1024x128xf32>
    %dot_general3A_26 = tpu.matmul %max3A_22, %get3A_25, %dot_general3A {dimension_numbers = #tpu.dot_dimension_numbers<[1], [0], [0], [1], [0, 0, 1, 1], [], []>, transpose_lhs_hint = false} : vector<1024x128xf32>, vector<128x128xf32>, vector<1024x128xf32> -> vector<1024x128xf32>
    %get3A_27 = arith.constant 0 : index
    %get3A_28 = arith.constant 0 : index
    %get3A_29 = vector.load %arg3[%get3A_27, %get3A_28] : memref<1024x128xf32, #tpu.memory_space<vmem>>, vector<1024x128xf32>
    %mul3A_30 = arith.mulf %dot_general3A_26, %get3A_29 : vector<1024x128xf32>
    %swap3A = arith.constant 0 : index
    %swap3A_31 = arith.constant 0 : index
    %swap3A_32 = vector.load %arg6[%swap3A, %swap3A_31] : memref<1024x128xf32, #tpu.memory_space<vmem>>, vector<1024x128xf32>
    tpu.vector_store %arg6[%swap3A, %swap3A_31], %mul3A_30 {strides = array<i32>} : memref<1024x128xf32, #tpu.memory_space<vmem>>, vector<1024x128xf32>,
    return
  }
  func.func @transform_0(%arg0: i32) -> (i32, i32, i32) {
    %c0_i32 = arith.constant 0 : i32
    %c0_i32_0 = arith.constant 0 : i32
    %c0_i32_1 = arith.constant 0 : i32
    return %c0_i32, %arg0, %c0_i32_0 : i32, i32, i32
  }
  func.func @transform_1(%arg0: i32) -> (i32, i32) {
    %c0_i32 = arith.constant 0 : i32
    %c0_i32_0 = arith.constant 0 : i32
    return %arg0, %c0_i32 : i32, i32
  }
  func.func @transform_2(%arg0: i32) -> (i32, i32) {
    %c0_i32 = arith.constant 0 : i32
    %c0_i32_0 = arith.constant 0 : i32
    return %arg0, %c0_i32 : i32, i32
  }
  func.func @transform_3(%arg0: i32) -> (i32, i32) {
    %c0_i32 = arith.constant 0 : i32
    %c0_i32_0 = arith.constant 0 : i32
    %c0_i32_1 = arith.constant 0 : i32
    return %c0_i32, %c0_i32_0 : i32, i32
  }
  func.func @transform_4(%arg0: i32) -> (i32, i32) {
    %c0_i32 = arith.constant 0 : i32
    %c0_i32_0 = arith.constant 0 : i32
    %c0_i32_1 = arith.constant 0 : i32
    return %c0_i32, %c0_i32_0 : i32, i32
  }
  func.func @transform_5(%arg0: i32) -> (i32, i32) {
    %c0_i32 = arith.constant 0 : i32
    %c0_i32_0 = arith.constant 0 : i32
    return %arg0, %c0_i32 : i32, i32
  }
}

module attributes {stable_mosaic.version = 14 : i64} {
  func.func @_tc_last_body(%arg0: i32, %arg1: memref<2x1024x128xf32, #tpu.memory_space<vmem>>, %arg2: memref<1024x128xf32, #tpu.memory_space<vmem>>, %arg3: memref<1024x128xf32, #tpu.memory_space<vmem>>, %arg4: memref<1x128xf32, #tpu.memory_space<vmem>>, %arg5: memref<1024x128xf32, #tpu.memory_space<vmem>>) attributes {dimension_semantics = [#tpu.dimension_semantics<arbitrary>], iteration_bounds = array<i64: 10>, scalar_prefetch = 0 : i64, scratch_operands = 0 : i64, tpu.core_type = #tpu.core_type<tc>, window_params = [{transform_indices = @transform_0, window_bounds = array<i64: 2, 1024, 128>}, {transform_indices = @transform_1, window_bounds = array<i64: 1024, 128>}, {transform_indices = @transform_2, window_bounds = array<i64: 1024, 128>}, {pipeline_mode = #tpu.pipeline_mode<synchronous>, transform_indices = @transform_3, window_bounds = array<i64: 1, 128>}, {transform_indices = @transform_4, window_bounds = array<i64: 1024, 128>}]} {
    %get3A = arith.constant 0 : index
    %get3A_0 = arith.constant 0 : index
    %get3A_1 = arith.constant 0 : index
    %get3A_2 = vector.load %arg1[%get3A, %get3A_0, %get3A_1] : memref<2x1024x128xf32, #tpu.memory_space<vmem>>, vector<1x1024x128xf32>
    %get3A_3 = vector.shape_cast %get3A_2 : vector<1x1024x128xf32> to vector<1024x128xf32>
    %get3A_4 = arith.constant 1 : index
    %get3A_5 = arith.constant 0 : index
    %get3A_6 = arith.constant 0 : index
    %get3A_7 = vector.load %arg1[%get3A_4, %get3A_5, %get3A_6] : memref<2x1024x128xf32, #tpu.memory_space<vmem>>, vector<1x1024x128xf32>
    %get3A_8 = vector.shape_cast %get3A_7 : vector<1x1024x128xf32> to vector<1024x128xf32>
    %add3A = arith.addf %get3A_3, %get3A_8 : vector<1024x128xf32>
    %get3A_9 = arith.constant 0 : index
    %get3A_10 = arith.constant 0 : index
    %get3A_11 = vector.load %arg2[%get3A_9, %get3A_10] : memref<1024x128xf32, #tpu.memory_space<vmem>>, vector<1024x128xf32>
    %add3A_12 = arith.addf %add3A, %get3A_11 : vector<1024x128xf32>
    %get3A_13 = arith.constant 0 : index
    %get3A_14 = arith.constant 0 : index
    %get3A_15 = vector.load %arg3[%get3A_13, %get3A_14] : memref<1024x128xf32, #tpu.memory_space<vmem>>, vector<1024x128xf32>
    %mul3A = arith.mulf %add3A_12, %get3A_15 : vector<1024x128xf32>
    %get3A_16 = arith.constant 0 : index
    %get3A_17 = arith.constant 0 : index
    %get3A_18 = vector.load %arg4[%get3A_16, %get3A_17] : memref<1x128xf32, #tpu.memory_space<vmem>>, vector<1x128xf32>
    %add3A_19 = vector.broadcast %get3A_18 : vector<1x128xf32> to vector<1024x128xf32>
    %add3A_20 = arith.addf %mul3A, %add3A_19 : vector<1024x128xf32>
    %swap3A = arith.constant 0 : index
    %swap3A_21 = arith.constant 0 : index
    %swap3A_22 = vector.load %arg5[%swap3A, %swap3A_21] : memref<1024x128xf32, #tpu.memory_space<vmem>>, vector<1024x128xf32>
    tpu.vector_store %arg5[%swap3A, %swap3A_21], %add3A_20 {strides = array<i32>} : memref<1024x128xf32, #tpu.memory_space<vmem>>, vector<1024x128xf32>,
    return
  }
  func.func @transform_0(%arg0: i32) -> (i32, i32, i32) {
    %c0_i32 = arith.constant 0 : i32
    %c0_i32_0 = arith.constant 0 : i32
    %c0_i32_1 = arith.constant 0 : i32
    return %c0_i32, %arg0, %c0_i32_0 : i32, i32, i32
  }
  func.func @transform_1(%arg0: i32) -> (i32, i32) {
    %c0_i32 = arith.constant 0 : i32
    %c0_i32_0 = arith.constant 0 : i32
    return %arg0, %c0_i32 : i32, i32
  }
  func.func @transform_2(%arg0: i32) -> (i32, i32) {
    %c0_i32 = arith.constant 0 : i32
    %c0_i32_0 = arith.constant 0 : i32
    return %arg0, %c0_i32 : i32, i32
  }
  func.func @transform_3(%arg0: i32) -> (i32, i32) {
    %c0_i32 = arith.constant 0 : i32
    %c0_i32_0 = arith.constant 0 : i32
    %c0_i32_1 = arith.constant 0 : i32
    return %c0_i32, %c0_i32_0 : i32, i32
  }
  func.func @transform_4(%arg0: i32) -> (i32, i32) {
    %c0_i32 = arith.constant 0 : i32
    %c0_i32_0 = arith.constant 0 : i32
    return %arg0, %c0_i32 : i32, i32
  }
}

</mosaic_0001>

<sc_bundles>
// kernel: kernel.10.cloned.1.call-start
scs
__scs_entry_jumppad:
0x0: {  	(pc) =	sbr.rel $0x88, $3  }
0x1: {  	(tag) =	ssettag $0x0;
	lr =	simm.s32 $0x1  }
0x2: {  	[smem:$0x3F99] =	sst lr;
	_ =	strace $0xD0000000  }
0x3: {  	_ = 	snop  }
0x4: {  	_ = 	snop  }
0x5: {  	_ = 	snop  }
0x6: {  	_ = 	snop  }
0x7: {  	_ = 	snop  }
__scs_overlays_trampoline_lowered:
0x8: {  	[smem:$0x3FA8] =	sst s0  }
0x9: {  	[smem:$0x3FA9] =	sst s1  }
0xa: {  	[smem:$0x3FAA] =	sst s2  }
0xb: {  	[smem:$0x3FAB] =	sst s3  }
0xc: {  	[smem:$0x3FAC] =	sst s4  }
0xd: {  	[smem:$0x3FAD] =	sst s5  }
0xe: {  	[smem:$0x3FAE] =	sst s6  }
0xf: {  	[smem:$0x3FAF] =	sst s7  }
0x10: {  	[smem:$0x3FB0] =	sst s8  }
0x11: {  	[smem:$0x3FB1] =	sst s9;
	s0 =	simm.s32 @!p0 $0x0  }
0x12: {  	s1 =	sld [smem:$0x3F97];
	s0 =	simm.s32 @p0 $0x1  }
0x13: {  	[smem:$0x3FB2] =	sst s0;
	s0 =	simm.s32 @!p1 $0x0  }
0x14: {  	s2 =	sld [smem:$0x3F96];
	s0 =	simm.s32 @p1 $0x1  }
0x15: {  	[smem:$0x3FB3] =	sst s0;
	s0 =	simm.s32 @!p2 $0x0  }
0x16: {  	s3 =	sld [smem:$0x3FDB];
	s0 =	simm.s32 @p2 $0x1  }
0x17: {  	s4 =	simm.s32 $0x1BF5;
	[smem:$0x3FB5] =	sst s0  }
0x18: {  	s0 =	sld [smem:$0x3F98];
	_ =	swait.ge [sflag:s4], $0x0  }
0x19: {  	s7 =	sld [smem:$0x3F99]  }
0x1a: {  	s8 =	sadd.s32 $0xFFFFE003, lr  }
0x1b: {  	s9 =	sadd.s32 $0xFFFFFEF7, lr;
	s5 =	simm.s32 $0xFFFFFFFF;
	p2 =	slt.u32 s8, $0xFFFFF086  }
0x1c: {  	p1 =	slt.u32 s9, $0xF7A;
	s5 =	simm.s32 @!p2 $0x0  }
0x1d: {  	s5 =	simm.s32 @p1 $0x1;
	p0 =	seq.s32 s7, s2  }
0x1e: {  	s7 =	smul.u32 @!p0 $0xF7A, s2;
	p2 =	seq.s32 @!p0 s5, $0x0  }
0x1f: {  	s9 =	smul.u32 $0xF7A, s1;
	s8 =	simm.s32 @!p0 $0x1BF5;
	p2 =	por !p2, p0  }
0x20: {  	[sflag:s8] =	ssyncset.s32 @!p0 $0xFFFFF086;
	s6 =	sadd.s32 @!p0 s3, s7;
	s7 =	simm.s32 @!p0 $0x108  }
0x21: {  	s3 =	sadd.s32 s3, s9;
	s6 =	sadd.s32 @!p0 $0x88, s6;
	s7 =	simm.s32 @p2 $0x1082  }
0x22: {  	[simem:s7], [sflag:s8] =	dma.local @!p0 [hbm:s6], $0xF7A  }
0x23: {  	s9 =	sor.u32 $0xD0000000, s2;
	s6 =	simm.s32 $0x108;
	_ =	swait.ge @!p0 [sflag:s8], $0x0  }
0x24: {  	s3 =	sadd.s32 $0x88, s3;
	s6 =	simm.s32 @!p1 $0x1082;
	[sflag:s4] =	ssyncset.s32 $0xFFFFF086  }
0x25: {  	[simem:s6], [sflag:s4] =	dma.local [hbm:s3], $0xF7A  }
0x26: {  	[smem:$0x3F99] =	sst s1;
	(tag) =	ssettag s2;
	_ =	strace s9  }
0x27: {  	s1 =	sld [smem:$0x3FA9]  }
0x28: {  	s2 =	sld [smem:$0x3FAA]  }
0x29: {  	s4 =	sld [smem:$0x3FAC]  }
0x2a: {  	p0 =	seq.s32 s5, $0x0;
	s5 =	sld [smem:$0x3FAD]  }
0x2b: {  	s6 =	sld [smem:$0x3FAE]  }
0x2c: {  	s7 =	sld [smem:$0x3FAF]  }
0x2d: {  	s3 =	simm.s32 $0x108;
	s8 =	sld [smem:$0x3FB0]  }
0x2e: {  	s3 =	simm.s32 @!p0 $0x1082;
	s9 =	sld [smem:$0x3FB1]  }
0x2f: {  	lr =	sadd.s32 s0, s3;
	s0 =	sld [smem:$0x3FA8]  }
0x30: {  	s3 =	sld [smem:$0x3FAB]  }
0x31: {  	[smem:$0x3FB4] =	sst s10  }
0x32: {  	s10 =	sld [smem:$0x3FB2];
	_ =	sdelay $0x3  }
0x33: {  	p0 =	seq.s32 s10, $0x1;
	s10 =	sld [smem:$0x3FB4];
	_ =	sdelay $0x3  }
0x34: {  	[smem:$0x3FB4] =	sst s10  }
0x35: {  	s10 =	sld [smem:$0x3FB3];
	_ =	sdelay $0x3  }
0x36: {  	p1 =	seq.s32 s10, $0x1;
	s10 =	sld [smem:$0x3FB4];
	_ =	sdelay $0x3  }
0x37: {  	[smem:$0x3FB4] =	sst s10  }
0x38: {  	s10 =	sld [smem:$0x3FB5]  }
0x39: {  	_ = 	snop;
	(pc) =	sbr.ind lr, $3  }
0x3a: {  	_ = 	snop  }
0x3b: {  	_ = 	snop  }
0x3c: {  	p2 =	seq.s32 s10, $0x1;
	s10 =	sld [smem:$0x3FB4]  }
0x3d: {  	_ =	shalt  }
0x3e: {  	_ =	shalt  }
0x3f: {  	_ =	shalt  }
0x40: {  	_ =	shalt  }
0x41: {  	_ =	shalt  }
0x42: {  	_ =	shalt  }
0x43: {  	_ =	shalt  }
0x44: {  	_ =	shalt  }
0x45: {  	_ =	shalt  }
0x46: {  	_ =	shalt  }
0x47: {  	_ =	shalt  }
0x48: {  	_ =	shalt  }
0x49: {  	_ =	shalt  }
0x4a: {  	_ =	shalt  }
0x4b: {  	_ =	shalt  }
0x4c: {  	_ =	shalt  }
0x4d: {  	_ =	shalt  }
0x4e: {  	_ =	shalt  }
0x4f: {  	_ =	shalt  }
0x50: {  	_ =	shalt  }
0x51: {  	_ =	shalt  }
0x52: {  	_ =	shalt  }
0x53: {  	_ =	shalt  }
0x54: {  	_ =	shalt  }
0x55: {  	_ =	shalt  }
0x56: {  	_ =	shalt  }
0x57: {  	_ =	shalt  }
0x58: {  	_ =	shalt  }
0x59: {  	_ =	shalt  }
0x5a: {  	_ =	shalt  }
0x5b: {  	_ =	shalt  }
0x5c: {  	_ =	shalt  }
0x5d: {  	_ =	shalt  }
0x5e: {  	_ =	shalt  }
0x5f: {  	_ =	shalt  }
0x60: {  	_ =	shalt  }
0x61: {  	_ =	shalt  }
0x62: {  	_ =	shalt  }
0x63: {  	_ =	shalt  }
0x64: {  	_ =	shalt  }
0x65: {  	_ =	shalt  }
0x66: {  	_ =	shalt  }
0x67: {  	_ =	shalt  }
0x68: {  	_ =	shalt  }
0x69: {  	_ =	shalt  }
0x6a: {  	_ =	shalt  }
0x6b: {  	_ =	shalt  }
0x6c: {  	_ =	shalt  }
0x6d: {  	_ =	shalt  }
0x6e: {  	_ =	shalt  }
0x6f: {  	_ =	shalt  }
0x70: {  	_ =	shalt  }
0x71: {  	_ =	shalt  }
0x72: {  	_ =	shalt  }
0x73: {  	_ =	shalt  }
0x74: {  	_ =	shalt  }
0x75: {  	_ =	shalt  }
0x76: {  	_ =	shalt  }
0x77: {  	_ =	shalt  }
0x78: {  	_ =	shalt  }
0x79: {  	_ =	shalt  }
0x7a: {  	_ =	shalt  }
0x7b: {  	_ =	shalt  }
0x7c: {  	_ =	shalt  }
0x7d: {  	_ =	shalt  }
0x7e: {  	_ =	shalt  }
0x7f: {  	_ =	shalt  }
0x80: {  	_ =	shalt  }
0x81: {  	_ =	shalt  }
0x82: {  	_ =	shalt  }
0x83: {  	_ =	shalt  }
0x84: {  	_ =	shalt  }
0x85: {  	_ =	shalt  }
0x86: {  	_ =	shalt  }
0x87: {  	_ =	shalt  }
.Lfunc_end0:
.L_simem_size_0:
called_computation_lowered:
.L_overlay_start_0:
0x88: {  	s2 =	sld [smem:$0x3FD9]  }
0x89: {  	s3 =	sld [smem:$0x3FFE];
	_ =	sdelay $0x1  }
0x8a: {  	s1 =	srdreg.scid  }
0x8b: {  	s0 =	sand.u32 $0x1, s1  }
0x8c: {  	s17 =	sshll.u32 s0, $0xA;
	s2 =	sadd.s32 s3, s2  }
0x8d: {  	s2 =	sadd.s32 s2, s17  }
0x8e: {  	[smem:$0x3FC0] =	sst s2  }
0x8f: {  	_ = 	snop  }
0x90: {  	s2 =	sld [smem:$0x3FD0];
	(tm) =	ssettm $0x1  }
0x91: {  	s18 =	sld [smem:$0x3FFB];
	_ =	sdelay $0x3  }
0x92: {  	_ =	strace s18  }
0x93: {  	s3 =	sld [smem:$0x3FFC];
	_ =	sdelay $0x3  }
0x94: {  	_ =	strace s3  }
0x95: {  	s3 =	sld [smem:$0x3FFD];
	_ =	sdelay $0x3  }
0x96: {  	_ =	strace s3  }
0x97: {  	_ =	strace $0x8FFFFFFF  }
0x98: {  	s19 =	sld [smem:$0x3FDB];
	_ =	sdelay $0x1  }
0x99: {  	s4 =	simm.s32 $_scs_section_size  }
0x9a: {  	s5 =	simm.s32 $_size__tile_overlayer_lowered;
	s6 =	simm.s32 $_tile_overlayer_lowered  }
0x9b: {  	s22 =	simm.s32 $0x1BFF;
	s21 =	sshll.u32 s6, $0x1;
	s3 =	sadd.s32 s4, s19  }
0x9c: {  	s7 =	simm.s32 $0x0;
	s20 =	sshll.u32 s5, $0x1;
	s5 =	sadd.s32 s21, s3  }
0x9d: {  	[timem:s7], [sflag:s22] =	dma.local [hbm:s5], s20  }
0x9e: {  	_ =	swait.ge [sflag:s22], s20  }
0x9f: {  	s4 =	ssub.s32 $0x0, s20;
	[sflag:s22] =	ssyncset.done $0x0  }
0xa0: {  	[sflag:s22] =	ssyncadd.s32 s4;
	_ =	sdelay $0x1  }
0xa1: {  	s23 =	simm.s32 $0x1B8B  }
0xa2: {  	_ =	swait.ge [sflag:s23], $0x1  }
0xa3: {  	[sflag:s23] =	ssyncset.done $0x0  }
0xa4: {  	s25 =	simm.s32 $0x1B8E;
	s24 =	sld [smem:$0x3FFE];
	[sflag:s23] =	ssyncadd.s32 $0xFFFFFFFF  }
0xa5: {  	s26 =	simm.s32 $execute0_lowered;
	[smem:$0x3FD2] =	sst s25  }
0xa6: {  	s5 =	sshll.u32 s26, $0x1;
	_ =	strace $0x80000046;
	[dreg:$0x1] =	wrdreg $0xFFFFFFFF  }
0xa7: {  	s28 =	simm.s32 $_size_execute0_lowered;
	s3 =	sadd.s32 s3, s5;
	[dreg:$0x0] =	wrdreg $0x0  }
0xa8: {  	s5 =	sshll.u32 s28, $0x1;
	[dreg:$0x2] =	wrdreg s3  }
0xa9: {  	[dreg:$0x3] =	wrdreg s5  }
0xaa: {  	[dreg:$0x4] =	wrdreg $0xC0  }
0xab: {  	_ =	task [dreg:s7], $0x5FFFF  }
0xac: {  	[dreg:$0x1] =	wrdreg $0xFFFFFFFF  }
0xad: {  	[dreg:$0x0] =	wrdreg $0x60  }
0xae: {  	[dreg:$0x2] =	wrdreg s2  }
0xaf: {  	[dreg:$0x3] =	wrdreg s24  }
0xb0: {  	[dreg:$0x4] =	wrdreg $0x0  }
0xb1: {  	[dreg:$0x5] =	wrdreg $0x9  }
0xb2: {  	_ =	task.clear_ibuf [dreg:s7], $0x6FFFF;
	_ =	strace $0x90000046  }
0xb3: {  	s29 =	simm.s32 $0x9;
	_ =	strace $0x80000048  }
0xb4: {  	_ =	swait.ge [sflag:s29], $0x1  }
0xb5: {  	[sflag:s29] =	ssyncadd.s32 $0xFFFFFFFF  }
0xb6: {  	_ =	strace $0x90000048  }
0xb7: {  	_ =	sfence  }
0xb8: {  	s30 =	sld [smem:$0x0];
	_ =	sdelay $0x2  }
0xb9: {  	s31 =	sshll.u32 s1, $0xD;
	s1 =	sshrl.u32 s1, $0x2  }
0xba: {  	s3 =	sand.u32 $0x4000, s31;
	s1 =	sadd.s32 s1, s30  }
0xbb: {  	s0 =	sor.u32 s3, s0;
	s1 =	sshll.u32 s1, $0x11  }
0xbc: {  	s0 =	sor.u32 s1, s0  }
0xbd: {  	s0 =	sadd.s32 $0x8F2B, s0  }
0xbe: {  	[sflag:s0] =	ssyncadd.remote.s32 $0x1  }
0xbf: {  	_ =	sfence.sel $0xFFFF  }
0xc0: {  	[dreg:$0x0] =	wrdreg $0xFFFFFFFF;
	(pc) =	sbr.abs _section_cstart, $3  }
0xc1: {  	[dreg:$0x1] =	wrdreg $0xFFFFFFFF  }
0xc2: {  	_ =	task.clear_ibuf [dreg:s7], $0x2FFFF;
	_ =	strace $0x9FFFFFFF  }
0xc3: {  	(tm) =	ssettm $0x7FFFFFFF  }
tec
execute0_lowered:
.L_overlay_start_1:
0x0: {  	(tag) =	ssettag $0x1  }
0x1: {  	s5 =	rddreg [dreg:$0x0]  }
0x2: {  	s4 =	rddreg [dreg:$0x1];
	s0 =	srdreg.scid  }
0x3: {  	s2 =	rddreg [dreg:$0x2];
	s1 =	stileid.u32  }
0x4: {  	s3 =	simm.s32 $0x0;
	s12 =	simm.s32 $0x5000;
	s13 =	simm.s32 $0x1  }
0x5: {  	s14 =	simm.s32 $0x2800;
	s15 =	simm.s32 $0x80;
	s8 =	smul.u32 $0x14000, s1  }
0x6: {  	s6 =	sand.u32 $0x1, s0;
	s0 =	rddreg [dreg:$0x3];
	s30 =	smul.u32 $0x50000, s1  }
0x7: {  	[smem:$0x7FF] =	sst s3;
	s29 =	sshll.u32 s1, $0x1;
	s7 =	smul.u32 $0x140000, s6  }
0x8: {  	s16 =	sshll.u32 s1, $0x6;
	_ =	strace $0x80000047;
	s9 =	ssub.s32 $0x2, s6  }
0x9: {  	s6 =	sor.u32 s6, s29;
	s16 =	sor.u32 $0x1C01, s16;
	s7 =	sadd.s32 s8, s7  }
0xa: {  	s10 =	sshrl.u32 s9, $0x1;
	s6 =	smul.u32 $0x500, s6;
	s7 =	sshrl.u32 s7, $0x3  }
0xb: {  	s31 =	sshrl.u32 s30, $0x2;
	s9 =	ssub.s32 s9, s10;
	s7 =	sadd.s32 s7, s4  }
0xc: {  	s5 =	sadd.s32 s5, s6;
	s4 =	sadd.s32 s31, s2;
	s6 =	sadd.s32 $0x2200, s7  }
0xd: {  	s7 =	smax.u32 s9, $0x1;
	s8 =	sadd.s32 $0x4000, s4;
	s9 =	sadd.s32 $0x8000, s4  }
0xe: {  	v0 =	vimm.f32 $0.0e+00;
	v1 =	vimm.f32 $1.000000000e+00;
	s10 =	sadd.s32 $0xC000, s4;
	s11 =	sadd.s32 $0x10000, s4;
	s17 =	sshrl.u32 s4, $0x3  }
.LBB2_1:
0xf: {  	s18 =	simm.s32 $0x200;
	s19 =	simm.s32 $0x0  }
.LBB2_2:
0x10: {  	p0 =	sne.s32 s18, $0xFE00;
	[tilespmem:s19+$0x5000] =	vst v0;
	s19 =	smov.u32 s18;
	s18 =	sadd.s32 $0x200, s18  }
.Ltmp0:
0x11: {  	(pc) =	sbr.rel @p0 .LBB2_2-.Ltmp0, $2  }
0x12: {  	_ =	sdelay $0x2  }
0x13: {  	s19 =	sshra.s32 s19, $0x2  }
0x14: {  	[tilespmem:s19+$0x5000] =	vst v0  }
0x15: {  	[spmem:s4] =	stream.linear.scatter [tilespmem:s12], [sflag:$0x1], $0x4000, $0x38;
	[tilespmem:$0x9000] =	vst v63  }
0x16: {  	_ =	swait.ge [sflag:s13], $0x4000  }
0x17: {  	[sflag:s13] =	ssyncset.done $0x0  }
0x18: {  	[sflag:s13] =	ssyncadd.s32 $0xFFFFC000  }
0x19: {  	[spmem:s8] =	stream.linear.scatter [tilespmem:s12], [sflag:$0x1], $0x4000, $0x38;
	[tilespmem:$0x9000] =	vst v63  }
0x1a: {  	_ =	swait.ge [sflag:s13], $0x4000  }
0x1b: {  	[sflag:s13] =	ssyncset.done $0x0  }
0x1c: {  	[sflag:s13] =	ssyncadd.s32 $0xFFFFC000  }
0x1d: {  	[spmem:s9] =	stream.linear.scatter [tilespmem:s12], [sflag:$0x1], $0x4000, $0x38;
	[tilespmem:$0x9000] =	vst v63  }
0x1e: {  	_ =	swait.ge [sflag:s13], $0x4000  }
0x1f: {  	[sflag:s13] =	ssyncset.done $0x0  }
0x20: {  	[sflag:s13] =	ssyncadd.s32 $0xFFFFC000  }
0x21: {  	[spmem:s10] =	stream.linear.scatter [tilespmem:s12], [sflag:$0x1], $0x4000, $0x38;
	[tilespmem:$0x9000] =	vst v63  }
0x22: {  	_ =	swait.ge [sflag:s13], $0x4000  }
0x23: {  	[sflag:s13] =	ssyncset.done $0x0  }
0x24: {  	[sflag:s13] =	ssyncadd.s32 $0xFFFFC000  }
0x25: {  	[spmem:s11] =	stream.linear.scatter [tilespmem:s12], [sflag:$0x1], $0x4000, $0x38;
	[tilespmem:$0x9000] =	vst v63  }
0x26: {  	_ =	swait.ge [sflag:s13], $0x4000  }
0x27: {  	[sflag:s13] =	ssyncset.done $0x0  }
0x28: {  	s18 =	simm.s32 $0x200;
	s19 =	simm.s32 $0x0;
	[sflag:s13] =	ssyncadd.s32 $0xFFFFC000  }
.LBB2_4:
0x29: {  	p0 =	sne.s32 s18, $0xFE00;
	[tilespmem:s19+$0x5000] =	vst v1;
	s19 =	smov.u32 s18;
	s18 =	sadd.s32 $0x200, s18  }
.Ltmp1:
0x2a: {  	(pc) =	sbr.rel @p0 .LBB2_4-.Ltmp1, $2  }
0x2b: {  	_ =	sdelay $0x2  }
0x2c: {  	s19 =	sshra.s32 s19, $0x2  }
0x2d: {  	[tilespmem:s19+$0x5000] =	vst v1;
	s18 =	simm.s32 $0x0  }
0x2e: {  	[tilespmem:s14], [sflag:$0x1] =	stream.linear.gather [hbm4b:s5+s18], $0x2800, $0x38;
	[tilespmem:$0x9000] =	vst v63  }
0x2f: {  	_ =	swait.ge [sflag:s13], $0x2800  }
0x30: {  	[sflag:s13] =	ssyncset.done $0x0  }
0x31: {  	[sflag:s13] =	ssyncadd.s32 $0xFFFFD800  }
0x32: {  	s31 =	simm.s32 $0x2800;
	[bflag:$0x0] =	sbarrier.arrive $0xFFFF  }
0x33: {  	[spmem:s2] =	stream.indirect.scatter.add.f32 [tilespmem:s12], [sflag:$0x1], $0x10, s31, s15, $0xb8;
	[tilespmem:$0x9000] =	vst v63  }
0x34: {  	s18 =	simm.s32 $0x200;
	_ =	swait.ge [sflag:s13], $0x800  }
.LBB2_6:
0x35: {  	s19 =	sshra.s32 s18, $0x2;
	[sflag:s13] =	ssyncset.done $0x0;
	p0 =	sne.s32 s18, $0x9E00  }
.Ltmp2:
0x36: {  	s19 =	sadd.s32 $0x2800, s19;
	[sflag:s13] =	ssyncadd.s32 $0xFFFFF800;
	(pc) =	sbr.rel @p0 .LBB2_6-.Ltmp2, $3  }
0x37: {  	[spmem:s2] =	stream.indirect.scatter.add.f32 [tilespmem:s12], [sflag:$0x1], $0x10, s19, s15, $0xb8;
	[tilespmem:$0x9000] =	vst v63  }
0x38: {  	s18 =	sadd.s32 $0x200, s18;
	_ =	sdelay $0x1  }
0x39: {  	_ =	swait.ge [sflag:s13], $0x800  }
0x3a: {  	[sflag:s13] =	ssyncset.done $0x0;
	s3 =	sadd.s32 $0x1, s3  }
0x3b: {  	[sflag:s13] =	ssyncadd.s32 $0xFFFFF800;
	p0 =	sne.s32 s3, s7  }
.Ltmp3:
0x3c: {  	[bflag:$0x0] =	sbarrier.arrive $0xFFFF;
	(pc) =	sbr.rel @p0 .LBB2_1-.Ltmp3, $4  }
0x3d: {  	[hbm:s6], [sflag:s16] =	dma.local [spmem:s17], $0x2800  }
0x3e: {  	_ =	swait.ge [sflag:s13], $0x2800  }
0x3f: {  	[sflag:s13] =	ssyncset.done $0x0  }
0x40: {  	[sflag:s13] =	ssyncadd.s32 $0xFFFFD800  }
0x41: {  	_ =	sfence.sel $0x180000  }
0x42: {  	[bflag:$0x0] =	sbarrier.arrive $0xFFFF  }
0x43: {  	p0 =	sne.s32 s1, $0x0;
	_ =	strace $0x90000047  }
0x44: {  	s0 =	sadd.s32 @!p0 $0x100000, s0;
	[bflag:$0x2] =	sbarrier.arrive $0xFFFF  }
0x45: {  	[sflag:s0] =	ssyncadd.tile.s32 @!p0 $0x1;
	_ =	shalt  }
.Lfunc_end2:
_tile_overlayer_lowered:
.L_overlay_start_2:
0x46: {  	(tag) =	ssettag $0x2  }
0x47: {  	s0 =	rddreg [dreg:$0x0];
	s2 =	stileid.u32  }
0x48: {  	s1 =	rddreg [dreg:$0x1];
	p0 =	sne.s32 s2, $0x0  }
0x49: {  	s3 =	rddreg [dreg:$0x2];
	[bflag:$0x3] =	sbarrier.arrive $0xFFFF;
	s2 =	simm.s32 @!p0 $0x1C01  }
0x4a: {  	[timem:s3], [sflag:s2] =	dma.local @!p0 [hbm:s0], s1  }
0x4b: {  	s0 =	simm.s32 @!p0 $0x1  }
0x4c: {  	_ =	swait.ge @!p0 [sflag:s0], s1  }
0x4d: {  	s1 =	ssub.s32 @!p0 $0x0, s1;
	[sflag:s0] =	ssyncset.done @!p0 $0x0  }
0x4e: {  	[sflag:s0] =	ssyncadd.s32 @!p0 s1  }
0x4f: {  	[bflag:$0x3] =	sbarrier.arrive $0xFFFF  }
0x50: {  	_ =	shalt  }

// kernel: kernel.13.cloned.1.call-start
scs
__scs_entry_jumppad:
0x0: {  	(pc) =	sbr.rel $0x88, $3  }
0x1: {  	(tag) =	ssettag $0x0;
	lr =	simm.s32 $0x1  }
0x2: {  	[smem:$0x3F99] =	sst lr;
	_ =	strace $0xD0000000  }
0x3: {  	_ = 	snop  }
0x4: {  	_ = 	snop  }
0x5: {  	_ = 	snop  }
0x6: {  	_ = 	snop  }
0x7: {  	_ = 	snop  }
__scs_overlays_trampoline_lowered:
0x8: {  	[smem:$0x3FA8] =	sst s0  }
0x9: {  	[smem:$0x3FA9] =	sst s1  }
0xa: {  	[smem:$0x3FAA] =	sst s2  }
0xb: {  	[smem:$0x3FAB] =	sst s3  }
0xc: {  	[smem:$0x3FAC] =	sst s4  }
0xd: {  	[smem:$0x3FAD] =	sst s5  }
0xe: {  	[smem:$0x3FAE] =	sst s6  }
0xf: {  	[smem:$0x3FAF] =	sst s7  }
0x10: {  	[smem:$0x3FB0] =	sst s8  }
0x11: {  	[smem:$0x3FB1] =	sst s9;
	s0 =	simm.s32 @!p0 $0x0  }
0x12: {  	s1 =	sld [smem:$0x3F97];
	s0 =	simm.s32 @p0 $0x1  }
0x13: {  	[smem:$0x3FB2] =	sst s0;
	s0 =	simm.s32 @!p1 $0x0  }
0x14: {  	s2 =	sld [smem:$0x3F96];
	s0 =	simm.s32 @p1 $0x1  }
0x15: {  	[smem:$0x3FB3] =	sst s0;
	s0 =	simm.s32 @!p2 $0x0  }
0x16: {  	s3 =	sld [smem:$0x3FDB];
	s0 =	simm.s32 @p2 $0x1  }
0x17: {  	s4 =	simm.s32 $0x1BF5;
	[smem:$0x3FB5] =	sst s0  }
0x18: {  	s0 =	sld [smem:$0x3F98];
	_ =	swait.ge [sflag:s4], $0x0  }
0x19: {  	s7 =	sld [smem:$0x3F99]  }
0x1a: {  	s8 =	sadd.s32 $0xFFFFE003, lr  }
0x1b: {  	s9 =	sadd.s32 $0xFFFFFEF7, lr;
	s5 =	simm.s32 $0xFFFFFFFF;
	p2 =	slt.u32 s8, $0xFFFFF086  }
0x1c: {  	p1 =	slt.u32 s9, $0xF7A;
	s5 =	simm.s32 @!p2 $0x0  }
0x1d: {  	s5 =	simm.s32 @p1 $0x1;
	p0 =	seq.s32 s7, s2  }
0x1e: {  	s7 =	smul.u32 @!p0 $0xF7A, s2;
	p2 =	seq.s32 @!p0 s5, $0x0  }
0x1f: {  	s9 =	smul.u32 $0xF7A, s1;
	s8 =	simm.s32 @!p0 $0x1BF5;
	p2 =	por !p2, p0  }
0x20: {  	[sflag:s8] =	ssyncset.s32 @!p0 $0xFFFFF086;
	s6 =	sadd.s32 @!p0 s3, s7;
	s7 =	simm.s32 @!p0 $0x108  }
0x21: {  	s3 =	sadd.s32 s3, s9;
	s6 =	sadd.s32 @!p0 $0x88, s6;
	s7 =	simm.s32 @p2 $0x1082  }
0x22: {  	[simem:s7], [sflag:s8] =	dma.local @!p0 [hbm:s6], $0xF7A  }
0x23: {  	s9 =	sor.u32 $0xD0000000, s2;
	s6 =	simm.s32 $0x108;
	_ =	swait.ge @!p0 [sflag:s8], $0x0  }
0x24: {  	s3 =	sadd.s32 $0x88, s3;
	s6 =	simm.s32 @!p1 $0x1082;
	[sflag:s4] =	ssyncset.s32 $0xFFFFF086  }
0x25: {  	[simem:s6], [sflag:s4] =	dma.local [hbm:s3], $0xF7A  }
0x26: {  	[smem:$0x3F99] =	sst s1;
	(tag) =	ssettag s2;
	_ =	strace s9  }
0x27: {  	s1 =	sld [smem:$0x3FA9]  }
0x28: {  	s2 =	sld [smem:$0x3FAA]  }
0x29: {  	s4 =	sld [smem:$0x3FAC]  }
0x2a: {  	p0 =	seq.s32 s5, $0x0;
	s5 =	sld [smem:$0x3FAD]  }
0x2b: {  	s6 =	sld [smem:$0x3FAE]  }
0x2c: {  	s7 =	sld [smem:$0x3FAF]  }
0x2d: {  	s3 =	simm.s32 $0x108;
	s8 =	sld [smem:$0x3FB0]  }
0x2e: {  	s3 =	simm.s32 @!p0 $0x1082;
	s9 =	sld [smem:$0x3FB1]  }
0x2f: {  	lr =	sadd.s32 s0, s3;
	s0 =	sld [smem:$0x3FA8]  }
0x30: {  	s3 =	sld [smem:$0x3FAB]  }
0x31: {  	[smem:$0x3FB4] =	sst s10  }
0x32: {  	s10 =	sld [smem:$0x3FB2];
	_ =	sdelay $0x3  }
0x33: {  	p0 =	seq.s32 s10, $0x1;
	s10 =	sld [smem:$0x3FB4];
	_ =	sdelay $0x3  }
0x34: {  	[smem:$0x3FB4] =	sst s10  }
0x35: {  	s10 =	sld [smem:$0x3FB3];
	_ =	sdelay $0x3  }
0x36: {  	p1 =	seq.s32 s10, $0x1;
	s10 =	sld [smem:$0x3FB4];
	_ =	sdelay $0x3  }
0x37: {  	[smem:$0x3FB4] =	sst s10  }
0x38: {  	s10 =	sld [smem:$0x3FB5]  }
0x39: {  	_ = 	snop;
	(pc) =	sbr.ind lr, $3  }
0x3a: {  	_ = 	snop  }
0x3b: {  	_ = 	snop  }
0x3c: {  	p2 =	seq.s32 s10, $0x1;
	s10 =	sld [smem:$0x3FB4]  }
0x3d: {  	_ =	shalt  }
0x3e: {  	_ =	shalt  }
0x3f: {  	_ =	shalt  }
0x40: {  	_ =	shalt  }
0x41: {  	_ =	shalt  }
0x42: {  	_ =	shalt  }
0x43: {  	_ =	shalt  }
0x44: {  	_ =	shalt  }
0x45: {  	_ =	shalt  }
0x46: {  	_ =	shalt  }
0x47: {  	_ =	shalt  }
0x48: {  	_ =	shalt  }
0x49: {  	_ =	shalt  }
0x4a: {  	_ =	shalt  }
0x4b: {  	_ =	shalt  }
0x4c: {  	_ =	shalt  }
0x4d: {  	_ =	shalt  }
0x4e: {  	_ =	shalt  }
0x4f: {  	_ =	shalt  }
0x50: {  	_ =	shalt  }
0x51: {  	_ =	shalt  }
0x52: {  	_ =	shalt  }
0x53: {  	_ =	shalt  }
0x54: {  	_ =	shalt  }
0x55: {  	_ =	shalt  }
0x56: {  	_ =	shalt  }
0x57: {  	_ =	shalt  }
0x58: {  	_ =	shalt  }
0x59: {  	_ =	shalt  }
0x5a: {  	_ =	shalt  }
0x5b: {  	_ =	shalt  }
0x5c: {  	_ =	shalt  }
0x5d: {  	_ =	shalt  }
0x5e: {  	_ =	shalt  }
0x5f: {  	_ =	shalt  }
0x60: {  	_ =	shalt  }
0x61: {  	_ =	shalt  }
0x62: {  	_ =	shalt  }
0x63: {  	_ =	shalt  }
0x64: {  	_ =	shalt  }
0x65: {  	_ =	shalt  }
0x66: {  	_ =	shalt  }
0x67: {  	_ =	shalt  }
0x68: {  	_ =	shalt  }
0x69: {  	_ =	shalt  }
0x6a: {  	_ =	shalt  }
0x6b: {  	_ =	shalt  }
0x6c: {  	_ =	shalt  }
0x6d: {  	_ =	shalt  }
0x6e: {  	_ =	shalt  }
0x6f: {  	_ =	shalt  }
0x70: {  	_ =	shalt  }
0x71: {  	_ =	shalt  }
0x72: {  	_ =	shalt  }
0x73: {  	_ =	shalt  }
0x74: {  	_ =	shalt  }
0x75: {  	_ =	shalt  }
0x76: {  	_ =	shalt  }
0x77: {  	_ =	shalt  }
0x78: {  	_ =	shalt  }
0x79: {  	_ =	shalt  }
0x7a: {  	_ =	shalt  }
0x7b: {  	_ =	shalt  }
0x7c: {  	_ =	shalt  }
0x7d: {  	_ =	shalt  }
0x7e: {  	_ =	shalt  }
0x7f: {  	_ =	shalt  }
0x80: {  	_ =	shalt  }
0x81: {  	_ =	shalt  }
0x82: {  	_ =	shalt  }
0x83: {  	_ =	shalt  }
0x84: {  	_ =	shalt  }
0x85: {  	_ =	shalt  }
0x86: {  	_ =	shalt  }
0x87: {  	_ =	shalt  }
.Lfunc_end0:
.L_simem_size_0:
called_computation.1_lowered:
.L_overlay_start_0:
0x88: {  	s2 =	sld [smem:$0x3FD9]  }
0x89: {  	s3 =	sld [smem:$0x3FFE];
	_ =	sdelay $0x1  }
0x8a: {  	s1 =	srdreg.scid  }
0x8b: {  	s0 =	sand.u32 $0x1, s1  }
0x8c: {  	s17 =	sshll.u32 s0, $0xA;
	s2 =	sadd.s32 s3, s2  }
0x8d: {  	s2 =	sadd.s32 s2, s17  }
0x8e: {  	[smem:$0x3FC0] =	sst s2  }
0x8f: {  	_ = 	snop  }
0x90: {  	s2 =	sld [smem:$0x3FD0];
	(tm) =	ssettm $0x1  }
0x91: {  	s18 =	sld [smem:$0x3FFB];
	_ =	sdelay $0x3  }
0x92: {  	_ =	strace s18  }
0x93: {  	s3 =	sld [smem:$0x3FFC];
	_ =	sdelay $0x3  }
0x94: {  	_ =	strace s3  }
0x95: {  	s3 =	sld [smem:$0x3FFD];
	_ =	sdelay $0x3  }
0x96: {  	_ =	strace s3  }
0x97: {  	_ =	strace $0x8FFFFFFF  }
0x98: {  	s19 =	sld [smem:$0x3FDB];
	_ =	sdelay $0x1  }
0x99: {  	s4 =	simm.s32 $_scs_section_size  }
0x9a: {  	s5 =	simm.s32 $_size__tile_overlayer_lowered;
	s6 =	simm.s32 $_tile_overlayer_lowered  }
0x9b: {  	s22 =	simm.s32 $0x1BFF;
	s21 =	sshll.u32 s6, $0x1;
	s3 =	sadd.s32 s4, s19  }
0x9c: {  	s7 =	simm.s32 $0x0;
	s20 =	sshll.u32 s5, $0x1;
	s5 =	sadd.s32 s21, s3  }
0x9d: {  	[timem:s7], [sflag:s22] =	dma.local [hbm:s5], s20  }
0x9e: {  	_ =	swait.ge [sflag:s22], s20  }
0x9f: {  	s4 =	ssub.s32 $0x0, s20;
	[sflag:s22] =	ssyncset.done $0x0  }
0xa0: {  	[sflag:s22] =	ssyncadd.s32 s4;
	_ =	sdelay $0x1  }
0xa1: {  	s23 =	simm.s32 $0x1B8B  }
0xa2: {  	_ =	swait.ge [sflag:s23], $0x1  }
0xa3: {  	[sflag:s23] =	ssyncset.done $0x0  }
0xa4: {  	s25 =	simm.s32 $0x1B8E;
	s24 =	sld [smem:$0x3FFE];
	[sflag:s23] =	ssyncadd.s32 $0xFFFFFFFF  }
0xa5: {  	s26 =	simm.s32 $execute0_lowered;
	[smem:$0x3FD2] =	sst s25  }
0xa6: {  	s5 =	sshll.u32 s26, $0x1;
	_ =	strace $0x80000049;
	[dreg:$0x1] =	wrdreg $0xFFFFFFFF  }
0xa7: {  	s28 =	simm.s32 $_size_execute0_lowered;
	s3 =	sadd.s32 s3, s5;
	[dreg:$0x0] =	wrdreg $0x0  }
0xa8: {  	s5 =	sshll.u32 s28, $0x1;
	[dreg:$0x2] =	wrdreg s3  }
0xa9: {  	[dreg:$0x3] =	wrdreg s5  }
0xaa: {  	[dreg:$0x4] =	wrdreg $0xC0  }
0xab: {  	_ =	task [dreg:s7], $0x5FFFF  }
0xac: {  	[dreg:$0x1] =	wrdreg $0xFFFFFFFF  }
0xad: {  	[dreg:$0x0] =	wrdreg $0x60  }
0xae: {  	[dreg:$0x2] =	wrdreg s24  }
0xaf: {  	[dreg:$0x3] =	wrdreg s2  }
0xb0: {  	[dreg:$0x4] =	wrdreg $0x0  }
0xb1: {  	[dreg:$0x5] =	wrdreg $0x9  }
0xb2: {  	_ =	task.clear_ibuf [dreg:s7], $0x6FFFF;
	_ =	strace $0x90000049  }
0xb3: {  	s29 =	simm.s32 $0x9;
	_ =	strace $0x8000004B  }
0xb4: {  	_ =	swait.ge [sflag:s29], $0x1  }
0xb5: {  	[sflag:s29] =	ssyncadd.s32 $0xFFFFFFFF  }
0xb6: {  	_ =	strace $0x9000004B  }
0xb7: {  	_ =	sfence  }
0xb8: {  	s30 =	sld [smem:$0x0];
	_ =	sdelay $0x2  }
0xb9: {  	s31 =	sshll.u32 s1, $0xD;
	s1 =	sshrl.u32 s1, $0x2  }
0xba: {  	s3 =	sand.u32 $0x4000, s31;
	s1 =	sadd.s32 s1, s30  }
0xbb: {  	s0 =	sor.u32 s3, s0;
	s1 =	sshll.u32 s1, $0x11  }
0xbc: {  	s0 =	sor.u32 s1, s0  }
0xbd: {  	s0 =	sadd.s32 $0x8F2B, s0  }
0xbe: {  	[sflag:s0] =	ssyncadd.remote.s32 $0x1  }
0xbf: {  	_ =	sfence.sel $0xFFFF  }
0xc0: {  	[dreg:$0x0] =	wrdreg $0xFFFFFFFF;
	(pc) =	sbr.abs _section_cstart, $3  }
0xc1: {  	[dreg:$0x1] =	wrdreg $0xFFFFFFFF  }
0xc2: {  	_ =	task.clear_ibuf [dreg:s7], $0x2FFFF;
	_ =	strace $0x9FFFFFFF  }
0xc3: {  	(tm) =	ssettm $0x7FFFFFFF  }
tec
execute0_lowered:
.L_overlay_start_1:
0x0: {  	(tag) =	ssettag $0x1  }
0x1: {  	s5 =	rddreg [dreg:$0x0]  }
0x2: {  	s7 =	rddreg [dreg:$0x1]  }
0x3: {  	s2 =	rddreg [dreg:$0x2];
	s3 =	srdreg.scid  }
0x4: {  	s0 =	rddreg [dreg:$0x3];
	s1 =	stileid.u32;
	s14 =	simm.s32 $0x19000  }
0x5: {  	s15 =	simm.s32 $0x2;
	s16 =	simm.s32 $0x14000;
	s17 =	simm.s32 $0x16800  }
0x6: {  	s18 =	simm.s32 $0x80;
	s19 =	simm.s32 $0x1;
	s10 =	smul.u32 $0x14000, s1  }
0x7: {  	s6 =	sand.u32 $0x1, s3;
	s3 =	simm.s32 $0x0;
	s30 =	smul.u32 $0x50000, s1  }
0x8: {  	s4 =	sshll.u32 s1, $0x1;
	s20 =	sshll.u32 s1, $0x6;
	s8 =	smul.u32 $0x140000, s6  }
0x9: {  	[smem:$0x7FF] =	sst s3;
	s9 =	sor.u32 s6, s4;
	s4 =	sadd.s32 $0x2200, s5  }
0xa: {  	s6 =	ssub.s32 $0x2, s6;
	s20 =	sor.u32 $0x1C02, s20;
	s9 =	smul.u32 $0x500, s9  }
0xb: {  	_ =	strace $0x8000004A;
	s12 =	sshrl.u32 s6, $0x1;
	s31 =	sshrl.u32 s30, $0x2  }
0xc: {  	s8 =	sadd.s32 s10, s8;
	s12 =	ssub.s32 s6, s12;
	s11 =	sadd.s32 s9, s5  }
0xd: {  	s8 =	sshrl.u32 s8, $0x3;
	s7 =	sadd.s32 s7, s9;
	s9 =	smax.u32 s12, $0x1  }
0xe: {  	s8 =	sadd.s32 s8, s5;
	s5 =	sadd.s32 s31, s2;
	s6 =	sadd.s32 $0x52200, s11  }
0xf: {  	s8 =	sadd.s32 $0x5C200, s8;
	s10 =	sadd.s32 $0x4000, s5;
	s11 =	sadd.s32 $0x8000, s5  }
0x10: {  	v0 =	vimm.f32 $0.0e+00;
	s12 =	sadd.s32 $0xC000, s5;
	s13 =	sadd.s32 $0x10000, s5;
	s21 =	sshrl.u32 s5, $0x3  }
.LBB2_1:
0x11: {  	s22 =	simm.s32 $0x0;
	s23 =	simm.s32 $0x200  }
.LBB2_2:
0x12: {  	p0 =	sne.s32 s23, $0xFE00;
	[tilespmem:s22+$0x19070] =	vst v0  }
0x13: {  	[tilespmem:s22+$0x19000] =	vst v0  }
0x14: {  	[tilespmem:s22+$0x19010] =	vst v0  }
.Ltmp0:
0x15: {  	[tilespmem:s22+$0x19020] =	vst v0;
	(pc) =	sbr.rel @p0 .LBB2_2-.Ltmp0, $4  }
0x16: {  	[tilespmem:s22+$0x19030] =	vst v0  }
0x17: {  	[tilespmem:s22+$0x19040] =	vst v0  }
0x18: {  	[tilespmem:s22+$0x19050] =	vst v0  }
0x19: {  	[tilespmem:s22+$0x19060] =	vst v0;
	s22 =	sshra.s32 s23, $0x2;
	s23 =	sadd.s32 $0x200, s23  }
0x1a: {  	[tilespmem:s22+$0x19070] =	vst v0  }
0x1b: {  	[tilespmem:s22+$0x19000] =	vst v0  }
0x1c: {  	[tilespmem:s22+$0x19010] =	vst v0  }
0x1d: {  	[tilespmem:s22+$0x19020] =	vst v0  }
0x1e: {  	[tilespmem:s22+$0x19030] =	vst v0  }
0x1f: {  	[tilespmem:s22+$0x19040] =	vst v0  }
0x20: {  	[tilespmem:s22+$0x19050] =	vst v0  }
0x21: {  	[tilespmem:s22+$0x19060] =	vst v0  }
0x22: {  	[spmem:s5] =	stream.linear.scatter [tilespmem:s14], [sflag:$0x2], $0x4000, $0x38;
	[tilespmem:$0x1D000] =	vst v63  }
0x23: {  	_ =	swait.ge [sflag:s15], $0x4000  }
0x24: {  	[sflag:s15] =	ssyncset.done $0x0  }
0x25: {  	[sflag:s15] =	ssyncadd.s32 $0xFFFFC000  }
0x26: {  	[spmem:s10] =	stream.linear.scatter [tilespmem:s14], [sflag:$0x2], $0x4000, $0x38;
	[tilespmem:$0x1D000] =	vst v63  }
0x27: {  	_ =	swait.ge [sflag:s15], $0x4000  }
0x28: {  	[sflag:s15] =	ssyncset.done $0x0  }
0x29: {  	[sflag:s15] =	ssyncadd.s32 $0xFFFFC000  }
0x2a: {  	[spmem:s11] =	stream.linear.scatter [tilespmem:s14], [sflag:$0x2], $0x4000, $0x38;
	[tilespmem:$0x1D000] =	vst v63  }
0x2b: {  	_ =	swait.ge [sflag:s15], $0x4000  }
0x2c: {  	[sflag:s15] =	ssyncset.done $0x0  }
0x2d: {  	[sflag:s15] =	ssyncadd.s32 $0xFFFFC000  }
0x2e: {  	[spmem:s12] =	stream.linear.scatter [tilespmem:s14], [sflag:$0x2], $0x4000, $0x38;
	[tilespmem:$0x1D000] =	vst v63  }
0x2f: {  	_ =	swait.ge [sflag:s15], $0x4000  }
0x30: {  	[sflag:s15] =	ssyncset.done $0x0  }
0x31: {  	[sflag:s15] =	ssyncadd.s32 $0xFFFFC000  }
0x32: {  	[spmem:s13] =	stream.linear.scatter [tilespmem:s14], [sflag:$0x2], $0x4000, $0x38;
	[tilespmem:$0x1D000] =	vst v63  }
0x33: {  	_ =	swait.ge [sflag:s15], $0x4000  }
0x34: {  	[sflag:s15] =	ssyncset.done $0x0  }
0x35: {  	s29 =	simm.s32 $0x0;
	[sflag:s15] =	ssyncadd.s32 $0xFFFFC000  }
0x36: {  	[tilespmem:s16], [sflag:$0x2] =	stream.linear.gather [hbm4b:s6+s29], $0x2800, $0x38;
	[tilespmem:$0x1D000] =	vst v63  }
0x37: {  	_ =	swait.ge [sflag:s15], $0x2800  }
0x38: {  	[sflag:s15] =	ssyncset.done $0x0  }
0x39: {  	[sflag:s15] =	ssyncadd.s32 $0xFFFFD800  }
0x3a: {  	[tilespmem:s17], [sflag:$0x2] =	stream.linear.gather [hbm4b:s7+s29], $0x2800, $0x38;
	[tilespmem:$0x1D000] =	vst v63  }
0x3b: {  	_ =	swait.ge [sflag:s15], $0x2800  }
0x3c: {  	[sflag:s15] =	ssyncset.done $0x0  }
0x3d: {  	[sflag:s15] =	ssyncadd.s32 $0xFFFFD800  }
0x3e: {  	s30 =	simm.s32 $0x14000;
	[bflag:$0x0] =	sbarrier.arrive $0xFFFF  }
0x3f: {  	[tilespmem:s14], [sflag:$0x1] =	stream.indirect.gather [hbm4b:s4+s18], $0x80, s30, s18, $0xb8;
	[tilespmem:$0x1D000] =	vst v63  }
0x40: {  	_ =	swait.ge [sflag:s19], $0x4000  }
0x41: {  	[sflag:s19] =	ssyncset.done $0x0  }
0x42: {  	s31 =	simm.s32 $0x16800;
	[sflag:s19] =	ssyncadd.s32 $0xFFFFC000  }
0x43: {  	[spmem:s2] =	stream.indirect.scatter.add.f32 [tilespmem:s14], [sflag:$0x2], $0x80, s31, s18, $0xb8;
	[tilespmem:$0x1D000] =	vst v63  }
0x44: {  	_ =	swait.ge [sflag:s15], $0x4000  }
0x45: {  	s23 =	simm.s32 $0x400;
	s22 =	simm.s32 $0x80;
	[sflag:s15] =	ssyncset.done $0x0  }
.LBB2_4:
0x46: {  	s24 =	sadd.s32 $0x14000, s22  }
0x47: {  	[sflag:s15] =	ssyncadd.s32 $0xFFFFC000;
	s25 =	smov.u32 s23;
	s26 =	sadd.s32 $0x200, s23  }
0x48: {  	[tilespmem:s14], [sflag:$0x1] =	stream.indirect.gather [hbm4b:s4+s18], $0x80, s24, s18, $0xb8;
	[tilespmem:$0x1D000] =	vst v63  }
0x49: {  	p0 =	sne.s32 s23, $0x9E00;
	_ =	swait.ge [sflag:s19], $0x4000  }
.Ltmp1:
0x4a: {  	[sflag:s19] =	ssyncset.done $0x0;
	(pc) =	sbr.rel @p0 .LBB2_4-.Ltmp1, $4  }
0x4b: {  	s22 =	sadd.s32 $0x16800, s22;
	[sflag:s19] =	ssyncadd.s32 $0xFFFFC000  }
0x4c: {  	[spmem:s2] =	stream.indirect.scatter.add.f32 [tilespmem:s14], [sflag:$0x2], $0x80, s22, s18, $0xb8;
	[tilespmem:$0x1D000] =	vst v63  }
0x4d: {  	_ =	swait.ge [sflag:s15], $0x4000  }
0x4e: {  	s23 =	smov.u32 s26;
	s22 =	sshra.s32 s25, $0x2;
	[sflag:s15] =	ssyncset.done $0x0  }
0x4f: {  	s23 =	sadd.s32 $0x14000, s22;
	[sflag:s15] =	ssyncadd.s32 $0xFFFFC000  }
0x50: {  	[tilespmem:s14], [sflag:$0x1] =	stream.indirect.gather [hbm4b:s4+s18], $0x80, s23, s18, $0xb8;
	[tilespmem:$0x1D000] =	vst v63  }
0x51: {  	_ =	swait.ge [sflag:s19], $0x4000  }
0x52: {  	[sflag:s19] =	ssyncset.done $0x0  }
0x53: {  	s31 =	sadd.s32 $0x16800, s22;
	[sflag:s19] =	ssyncadd.s32 $0xFFFFC000  }
0x54: {  	[spmem:s2] =	stream.indirect.scatter.add.f32 [tilespmem:s14], [sflag:$0x2], $0x80, s31, s18, $0xb8;
	[tilespmem:$0x1D000] =	vst v63  }
0x55: {  	_ =	swait.ge [sflag:s15], $0x4000  }
0x56: {  	s3 =	sadd.s32 $0x1, s3;
	[sflag:s15] =	ssyncset.done $0x0  }
0x57: {  	p0 =	sne.s32 s3, s9;
	[sflag:s15] =	ssyncadd.s32 $0xFFFFC000  }
.Ltmp2:
0x58: {  	[bflag:$0x0] =	sbarrier.arrive $0xFFFF;
	(pc) =	sbr.rel @p0 .LBB2_1-.Ltmp2, $4  }
0x59: {  	[hbm:s8], [sflag:s20] =	dma.local [spmem:s21], $0x2800  }
0x5a: {  	_ =	swait.ge [sflag:s15], $0x2800  }
0x5b: {  	[sflag:s15] =	ssyncset.done $0x0  }
0x5c: {  	[sflag:s15] =	ssyncadd.s32 $0xFFFFD800  }
0x5d: {  	_ =	sfence.sel $0x180000  }
0x5e: {  	[bflag:$0x0] =	sbarrier.arrive $0xFFFF  }
0x5f: {  	p0 =	sne.s32 s1, $0x0;
	_ =	strace $0x9000004A  }
0x60: {  	s0 =	sadd.s32 @!p0 $0x100000, s0;
	[bflag:$0x2] =	sbarrier.arrive $0xFFFF  }
0x61: {  	[sflag:s0] =	ssyncadd.tile.s32 @!p0 $0x1;
	_ =	shalt  }
.Lfunc_end2:
_tile_overlayer_lowered:
.L_overlay_start_2:
0x62: {  	(tag) =	ssettag $0x2  }
0x63: {  	s0 =	rddreg [dreg:$0x0];
	s2 =	stileid.u32  }
0x64: {  	s1 =	rddreg [dreg:$0x1];
	p0 =	sne.s32 s2, $0x0  }
0x65: {  	s3 =	rddreg [dreg:$0x2];
	[bflag:$0x3] =	sbarrier.arrive $0xFFFF;
	s2 =	simm.s32 @!p0 $0x1C02  }
0x66: {  	[timem:s3], [sflag:s2] =	dma.local @!p0 [hbm:s0], s1  }
0x67: {  	s0 =	simm.s32 @!p0 $0x2  }
0x68: {  	_ =	swait.ge @!p0 [sflag:s0], s1  }
0x69: {  	s1 =	ssub.s32 @!p0 $0x0, s1;
	[sflag:s0] =	ssyncset.done @!p0 $0x0  }
0x6a: {  	[sflag:s0] =	ssyncadd.s32 @!p0 s1  }
0x6b: {  	[bflag:$0x3] =	sbarrier.arrive $0xFFFF  }
0x6c: {  	_ =	shalt  }

// kernel: kernel.16.cloned.1.call-start
scs
__scs_entry_jumppad:
0x0: {  	(pc) =	sbr.rel $0x88, $3  }
0x1: {  	(tag) =	ssettag $0x0;
	lr =	simm.s32 $0x1  }
0x2: {  	[smem:$0x3F99] =	sst lr;
	_ =	strace $0xD0000000  }
0x3: {  	_ = 	snop  }
0x4: {  	_ = 	snop  }
0x5: {  	_ = 	snop  }
0x6: {  	_ = 	snop  }
0x7: {  	_ = 	snop  }
__scs_overlays_trampoline_lowered:
0x8: {  	[smem:$0x3FA8] =	sst s0  }
0x9: {  	[smem:$0x3FA9] =	sst s1  }
0xa: {  	[smem:$0x3FAA] =	sst s2  }
0xb: {  	[smem:$0x3FAB] =	sst s3  }
0xc: {  	[smem:$0x3FAC] =	sst s4  }
0xd: {  	[smem:$0x3FAD] =	sst s5  }
0xe: {  	[smem:$0x3FAE] =	sst s6  }
0xf: {  	[smem:$0x3FAF] =	sst s7  }
0x10: {  	[smem:$0x3FB0] =	sst s8  }
0x11: {  	[smem:$0x3FB1] =	sst s9;
	s0 =	simm.s32 @!p0 $0x0  }
0x12: {  	s1 =	sld [smem:$0x3F97];
	s0 =	simm.s32 @p0 $0x1  }
0x13: {  	[smem:$0x3FB2] =	sst s0;
	s0 =	simm.s32 @!p1 $0x0  }
0x14: {  	s2 =	sld [smem:$0x3F96];
	s0 =	simm.s32 @p1 $0x1  }
0x15: {  	[smem:$0x3FB3] =	sst s0;
	s0 =	simm.s32 @!p2 $0x0  }
0x16: {  	s3 =	sld [smem:$0x3FDB];
	s0 =	simm.s32 @p2 $0x1  }
0x17: {  	s4 =	simm.s32 $0x1BF5;
	[smem:$0x3FB5] =	sst s0  }
0x18: {  	s0 =	sld [smem:$0x3F98];
	_ =	swait.ge [sflag:s4], $0x0  }
0x19: {  	s7 =	sld [smem:$0x3F99]  }
0x1a: {  	s8 =	sadd.s32 $0xFFFFE003, lr  }
0x1b: {  	s9 =	sadd.s32 $0xFFFFFEF7, lr;
	s5 =	simm.s32 $0xFFFFFFFF;
	p2 =	slt.u32 s8, $0xFFFFF086  }
0x1c: {  	p1 =	slt.u32 s9, $0xF7A;
	s5 =	simm.s32 @!p2 $0x0  }
0x1d: {  	s5 =	simm.s32 @p1 $0x1;
	p0 =	seq.s32 s7, s2  }
0x1e: {  	s7 =	smul.u32 @!p0 $0xF7A, s2;
	p2 =	seq.s32 @!p0 s5, $0x0  }
0x1f: {  	s9 =	smul.u32 $0xF7A, s1;
	s8 =	simm.s32 @!p0 $0x1BF5;
	p2 =	por !p2, p0  }
0x20: {  	[sflag:s8] =	ssyncset.s32 @!p0 $0xFFFFF086;
	s6 =	sadd.s32 @!p0 s3, s7;
	s7 =	simm.s32 @!p0 $0x108  }
0x21: {  	s3 =	sadd.s32 s3, s9;
	s6 =	sadd.s32 @!p0 $0x88, s6;
	s7 =	simm.s32 @p2 $0x1082  }
0x22: {  	[simem:s7], [sflag:s8] =	dma.local @!p0 [hbm:s6], $0xF7A  }
0x23: {  	s9 =	sor.u32 $0xD0000000, s2;
	s6 =	simm.s32 $0x108;
	_ =	swait.ge @!p0 [sflag:s8], $0x0  }
0x24: {  	s3 =	sadd.s32 $0x88, s3;
	s6 =	simm.s32 @!p1 $0x1082;
	[sflag:s4] =	ssyncset.s32 $0xFFFFF086  }
0x25: {  	[simem:s6], [sflag:s4] =	dma.local [hbm:s3], $0xF7A  }
0x26: {  	[smem:$0x3F99] =	sst s1;
	(tag) =	ssettag s2;
	_ =	strace s9  }
0x27: {  	s1 =	sld [smem:$0x3FA9]  }
0x28: {  	s2 =	sld [smem:$0x3FAA]  }
0x29: {  	s4 =	sld [smem:$0x3FAC]  }
0x2a: {  	p0 =	seq.s32 s5, $0x0;
	s5 =	sld [smem:$0x3FAD]  }
0x2b: {  	s6 =	sld [smem:$0x3FAE]  }
0x2c: {  	s7 =	sld [smem:$0x3FAF]  }
0x2d: {  	s3 =	simm.s32 $0x108;
	s8 =	sld [smem:$0x3FB0]  }
0x2e: {  	s3 =	simm.s32 @!p0 $0x1082;
	s9 =	sld [smem:$0x3FB1]  }
0x2f: {  	lr =	sadd.s32 s0, s3;
	s0 =	sld [smem:$0x3FA8]  }
0x30: {  	s3 =	sld [smem:$0x3FAB]  }
0x31: {  	[smem:$0x3FB4] =	sst s10  }
0x32: {  	s10 =	sld [smem:$0x3FB2];
	_ =	sdelay $0x3  }
0x33: {  	p0 =	seq.s32 s10, $0x1;
	s10 =	sld [smem:$0x3FB4];
	_ =	sdelay $0x3  }
0x34: {  	[smem:$0x3FB4] =	sst s10  }
0x35: {  	s10 =	sld [smem:$0x3FB3];
	_ =	sdelay $0x3  }
0x36: {  	p1 =	seq.s32 s10, $0x1;
	s10 =	sld [smem:$0x3FB4];
	_ =	sdelay $0x3  }
0x37: {  	[smem:$0x3FB4] =	sst s10  }
0x38: {  	s10 =	sld [smem:$0x3FB5]  }
0x39: {  	_ = 	snop;
	(pc) =	sbr.ind lr, $3  }
0x3a: {  	_ = 	snop  }
0x3b: {  	_ = 	snop  }
0x3c: {  	p2 =	seq.s32 s10, $0x1;
	s10 =	sld [smem:$0x3FB4]  }
0x3d: {  	_ =	shalt  }
0x3e: {  	_ =	shalt  }
0x3f: {  	_ =	shalt  }
0x40: {  	_ =	shalt  }
0x41: {  	_ =	shalt  }
0x42: {  	_ =	shalt  }
0x43: {  	_ =	shalt  }
0x44: {  	_ =	shalt  }
0x45: {  	_ =	shalt  }
0x46: {  	_ =	shalt  }
0x47: {  	_ =	shalt  }
0x48: {  	_ =	shalt  }
0x49: {  	_ =	shalt  }
0x4a: {  	_ =	shalt  }
0x4b: {  	_ =	shalt  }
0x4c: {  	_ =	shalt  }
0x4d: {  	_ =	shalt  }
0x4e: {  	_ =	shalt  }
0x4f: {  	_ =	shalt  }
0x50: {  	_ =	shalt  }
0x51: {  	_ =	shalt  }
0x52: {  	_ =	shalt  }
0x53: {  	_ =	shalt  }
0x54: {  	_ =	shalt  }
0x55: {  	_ =	shalt  }
0x56: {  	_ =	shalt  }
0x57: {  	_ =	shalt  }
0x58: {  	_ =	shalt  }
0x59: {  	_ =	shalt  }
0x5a: {  	_ =	shalt  }
0x5b: {  	_ =	shalt  }
0x5c: {  	_ =	shalt  }
0x5d: {  	_ =	shalt  }
0x5e: {  	_ =	shalt  }
0x5f: {  	_ =	shalt  }
0x60: {  	_ =	shalt  }
0x61: {  	_ =	shalt  }
0x62: {  	_ =	shalt  }
0x63: {  	_ =	shalt  }
0x64: {  	_ =	shalt  }
0x65: {  	_ =	shalt  }
0x66: {  	_ =	shalt  }
0x67: {  	_ =	shalt  }
0x68: {  	_ =	shalt  }
0x69: {  	_ =	shalt  }
0x6a: {  	_ =	shalt  }
0x6b: {  	_ =	shalt  }
0x6c: {  	_ =	shalt  }
0x6d: {  	_ =	shalt  }
0x6e: {  	_ =	shalt  }
0x6f: {  	_ =	shalt  }
0x70: {  	_ =	shalt  }
0x71: {  	_ =	shalt  }
0x72: {  	_ =	shalt  }
0x73: {  	_ =	shalt  }
0x74: {  	_ =	shalt  }
0x75: {  	_ =	shalt  }
0x76: {  	_ =	shalt  }
0x77: {  	_ =	shalt  }
0x78: {  	_ =	shalt  }
0x79: {  	_ =	shalt  }
0x7a: {  	_ =	shalt  }
0x7b: {  	_ =	shalt  }
0x7c: {  	_ =	shalt  }
0x7d: {  	_ =	shalt  }
0x7e: {  	_ =	shalt  }
0x7f: {  	_ =	shalt  }
0x80: {  	_ =	shalt  }
0x81: {  	_ =	shalt  }
0x82: {  	_ =	shalt  }
0x83: {  	_ =	shalt  }
0x84: {  	_ =	shalt  }
0x85: {  	_ =	shalt  }
0x86: {  	_ =	shalt  }
0x87: {  	_ =	shalt  }
.Lfunc_end0:
.L_simem_size_0:
called_computation.2_lowered:
.L_overlay_start_0:
0x88: {  	s2 =	sld [smem:$0x3FD9]  }
0x89: {  	s3 =	sld [smem:$0x3FFE];
	_ =	sdelay $0x1  }
0x8a: {  	s1 =	srdreg.scid  }
0x8b: {  	s0 =	sand.u32 $0x1, s1  }
0x8c: {  	s17 =	sshll.u32 s0, $0xA;
	s2 =	sadd.s32 s3, s2  }
0x8d: {  	s2 =	sadd.s32 s2, s17  }
0x8e: {  	[smem:$0x3FC0] =	sst s2  }
0x8f: {  	_ = 	snop  }
0x90: {  	s2 =	sld [smem:$0x3FD0];
	(tm) =	ssettm $0x1  }
0x91: {  	s18 =	sld [smem:$0x3FFB];
	_ =	sdelay $0x3  }
0x92: {  	_ =	strace s18  }
0x93: {  	s3 =	sld [smem:$0x3FFC];
	_ =	sdelay $0x3  }
0x94: {  	_ =	strace s3  }
0x95: {  	s3 =	sld [smem:$0x3FFD];
	_ =	sdelay $0x3  }
0x96: {  	_ =	strace s3  }
0x97: {  	_ =	strace $0x8FFFFFFF  }
0x98: {  	s19 =	sld [smem:$0x3FDB];
	_ =	sdelay $0x1  }
0x99: {  	s4 =	simm.s32 $_scs_section_size  }
0x9a: {  	s5 =	simm.s32 $_size__tile_overlayer_lowered;
	s6 =	simm.s32 $_tile_overlayer_lowered  }
0x9b: {  	s22 =	simm.s32 $0x1BFF;
	s21 =	sshll.u32 s6, $0x1;
	s3 =	sadd.s32 s4, s19  }
0x9c: {  	s7 =	simm.s32 $0x0;
	s20 =	sshll.u32 s5, $0x1;
	s5 =	sadd.s32 s21, s3  }
0x9d: {  	[timem:s7], [sflag:s22] =	dma.local [hbm:s5], s20  }
0x9e: {  	_ =	swait.ge [sflag:s22], s20  }
0x9f: {  	s4 =	ssub.s32 $0x0, s20;
	[sflag:s22] =	ssyncset.done $0x0  }
0xa0: {  	[sflag:s22] =	ssyncadd.s32 s4;
	_ =	sdelay $0x1  }
0xa1: {  	s23 =	simm.s32 $0x1B8B  }
0xa2: {  	_ =	swait.ge [sflag:s23], $0x1  }
0xa3: {  	[sflag:s23] =	ssyncset.done $0x0  }
0xa4: {  	s25 =	simm.s32 $0x1B8E;
	s24 =	sld [smem:$0x3FFE];
	[sflag:s23] =	ssyncadd.s32 $0xFFFFFFFF  }
0xa5: {  	s26 =	simm.s32 $execute0_lowered;
	[smem:$0x3FD2] =	sst s25  }
0xa6: {  	s5 =	sshll.u32 s26, $0x1;
	_ =	strace $0x8000004C;
	[dreg:$0x1] =	wrdreg $0xFFFFFFFF  }
0xa7: {  	s28 =	simm.s32 $_size_execute0_lowered;
	s3 =	sadd.s32 s3, s5;
	[dreg:$0x0] =	wrdreg $0x0  }
0xa8: {  	s5 =	sshll.u32 s28, $0x1;
	[dreg:$0x2] =	wrdreg s3  }
0xa9: {  	[dreg:$0x3] =	wrdreg s5  }
0xaa: {  	[dreg:$0x4] =	wrdreg $0xC0  }
0xab: {  	_ =	task [dreg:s7], $0x5FFFF  }
0xac: {  	[dreg:$0x1] =	wrdreg $0xFFFFFFFF  }
0xad: {  	[dreg:$0x0] =	wrdreg $0x60  }
0xae: {  	[dreg:$0x2] =	wrdreg s24  }
0xaf: {  	[dreg:$0x3] =	wrdreg s2  }
0xb0: {  	[dreg:$0x4] =	wrdreg $0x0  }
0xb1: {  	[dreg:$0x5] =	wrdreg $0x9  }
0xb2: {  	_ =	task.clear_ibuf [dreg:s7], $0x6FFFF;
	_ =	strace $0x9000004C  }
0xb3: {  	s29 =	simm.s32 $0x9;
	_ =	strace $0x8000004E  }
0xb4: {  	_ =	swait.ge [sflag:s29], $0x1  }
0xb5: {  	[sflag:s29] =	ssyncadd.s32 $0xFFFFFFFF  }
0xb6: {  	_ =	strace $0x9000004E  }
0xb7: {  	_ =	sfence  }
0xb8: {  	s30 =	sld [smem:$0x0];
	_ =	sdelay $0x2  }
0xb9: {  	s31 =	sshll.u32 s1, $0xD;
	s1 =	sshrl.u32 s1, $0x2  }
0xba: {  	s3 =	sand.u32 $0x4000, s31;
	s1 =	sadd.s32 s1, s30  }
0xbb: {  	s0 =	sor.u32 s3, s0;
	s1 =	sshll.u32 s1, $0x11  }
0xbc: {  	s0 =	sor.u32 s1, s0  }
0xbd: {  	s0 =	sadd.s32 $0x8F2B, s0  }
0xbe: {  	[sflag:s0] =	ssyncadd.remote.s32 $0x1  }
0xbf: {  	_ =	sfence.sel $0xFFFF  }
0xc0: {  	[dreg:$0x0] =	wrdreg $0xFFFFFFFF;
	(pc) =	sbr.abs _section_cstart, $3  }
0xc1: {  	[dreg:$0x1] =	wrdreg $0xFFFFFFFF  }
0xc2: {  	_ =	task.clear_ibuf [dreg:s7], $0x2FFFF;
	_ =	strace $0x9FFFFFFF  }
0xc3: {  	(tm) =	ssettm $0x7FFFFFFF  }
tec
execute0_lowered:
.L_overlay_start_1:
0x0: {  	(tag) =	ssettag $0x1  }
0x1: {  	s5 =	rddreg [dreg:$0x0]  }
0x2: {  	s7 =	rddreg [dreg:$0x1]  }
0x3: {  	s2 =	rddreg [dreg:$0x2];
	s3 =	srdreg.scid  }
0x4: {  	s0 =	rddreg [dreg:$0x3];
	s1 =	stileid.u32;
	s14 =	simm.s32 $0x19000  }
0x5: {  	s15 =	simm.s32 $0x2;
	s16 =	simm.s32 $0x14000;
	s17 =	simm.s32 $0x16800  }
0x6: {  	s18 =	simm.s32 $0x80;
	s19 =	simm.s32 $0x1;
	s10 =	smul.u32 $0x14000, s1  }
0x7: {  	s6 =	sand.u32 $0x1, s3;
	s3 =	simm.s32 $0x0;
	s30 =	smul.u32 $0x50000, s1  }
0x8: {  	s4 =	sshll.u32 s1, $0x1;
	s20 =	sshll.u32 s1, $0x6;
	s8 =	smul.u32 $0x140000, s6  }
0x9: {  	[smem:$0x7FF] =	sst s3;
	s9 =	sor.u32 s6, s4;
	s4 =	sadd.s32 $0x2200, s5  }
0xa: {  	s6 =	ssub.s32 $0x2, s6;
	s20 =	sor.u32 $0x1C02, s20;
	s9 =	smul.u32 $0x500, s9  }
0xb: {  	_ =	strace $0x8000004D;
	s12 =	sshrl.u32 s6, $0x1;
	s31 =	sshrl.u32 s30, $0x2  }
0xc: {  	s8 =	sadd.s32 s10, s8;
	s12 =	ssub.s32 s6, s12;
	s11 =	sadd.s32 s9, s5  }
0xd: {  	s8 =	sshrl.u32 s8, $0x3;
	s7 =	sadd.s32 s7, s9;
	s9 =	smax.u32 s12, $0x1  }
0xe: {  	s8 =	sadd.s32 s8, s5;
	s5 =	sadd.s32 s31, s2;
	s6 =	sadd.s32 $0x52200, s11  }
0xf: {  	s8 =	sadd.s32 $0x5C200, s8;
	s10 =	sadd.s32 $0x4000, s5;
	s11 =	sadd.s32 $0x8000, s5  }
0x10: {  	v0 =	vimm.f32 $0.0e+00;
	s12 =	sadd.s32 $0xC000, s5;
	s13 =	sadd.s32 $0x10000, s5;
	s21 =	sshrl.u32 s5, $0x3  }
.LBB2_1:
0x11: {  	s22 =	simm.s32 $0x0;
	s23 =	simm.s32 $0x200  }
.LBB2_2:
0x12: {  	p0 =	sne.s32 s23, $0xFE00;
	[tilespmem:s22+$0x19070] =	vst v0  }
0x13: {  	[tilespmem:s22+$0x19000] =	vst v0  }
0x14: {  	[tilespmem:s22+$0x19010] =	vst v0  }
.Ltmp0:
0x15: {  	[tilespmem:s22+$0x19020] =	vst v0;
	(pc) =	sbr.rel @p0 .LBB2_2-.Ltmp0, $4  }
0x16: {  	[tilespmem:s22+$0x19030] =	vst v0  }
0x17: {  	[tilespmem:s22+$0x19040] =	vst v0  }
0x18: {  	[tilespmem:s22+$0x19050] =	vst v0  }
0x19: {  	[tilespmem:s22+$0x19060] =	vst v0;
	s22 =	sshra.s32 s23, $0x2;
	s23 =	sadd.s32 $0x200, s23  }
0x1a: {  	[tilespmem:s22+$0x19070] =	vst v0  }
0x1b: {  	[tilespmem:s22+$0x19000] =	vst v0  }
0x1c: {  	[tilespmem:s22+$0x19010] =	vst v0  }
0x1d: {  	[tilespmem:s22+$0x19020] =	vst v0  }
0x1e: {  	[tilespmem:s22+$0x19030] =	vst v0  }
0x1f: {  	[tilespmem:s22+$0x19040] =	vst v0  }
0x20: {  	[tilespmem:s22+$0x19050] =	vst v0  }
0x21: {  	[tilespmem:s22+$0x19060] =	vst v0  }
0x22: {  	[spmem:s5] =	stream.linear.scatter [tilespmem:s14], [sflag:$0x2], $0x4000, $0x38;
	[tilespmem:$0x1D000] =	vst v63  }
0x23: {  	_ =	swait.ge [sflag:s15], $0x4000  }
0x24: {  	[sflag:s15] =	ssyncset.done $0x0  }
0x25: {  	[sflag:s15] =	ssyncadd.s32 $0xFFFFC000  }
0x26: {  	[spmem:s10] =	stream.linear.scatter [tilespmem:s14], [sflag:$0x2], $0x4000, $0x38;
	[tilespmem:$0x1D000] =	vst v63  }
0x27: {  	_ =	swait.ge [sflag:s15], $0x4000  }
0x28: {  	[sflag:s15] =	ssyncset.done $0x0  }
0x29: {  	[sflag:s15] =	ssyncadd.s32 $0xFFFFC000  }
0x2a: {  	[spmem:s11] =	stream.linear.scatter [tilespmem:s14], [sflag:$0x2], $0x4000, $0x38;
	[tilespmem:$0x1D000] =	vst v63  }
0x2b: {  	_ =	swait.ge [sflag:s15], $0x4000  }
0x2c: {  	[sflag:s15] =	ssyncset.done $0x0  }
0x2d: {  	[sflag:s15] =	ssyncadd.s32 $0xFFFFC000  }
0x2e: {  	[spmem:s12] =	stream.linear.scatter [tilespmem:s14], [sflag:$0x2], $0x4000, $0x38;
	[tilespmem:$0x1D000] =	vst v63  }
0x2f: {  	_ =	swait.ge [sflag:s15], $0x4000  }
0x30: {  	[sflag:s15] =	ssyncset.done $0x0  }
0x31: {  	[sflag:s15] =	ssyncadd.s32 $0xFFFFC000  }
0x32: {  	[spmem:s13] =	stream.linear.scatter [tilespmem:s14], [sflag:$0x2], $0x4000, $0x38;
	[tilespmem:$0x1D000] =	vst v63  }
0x33: {  	_ =	swait.ge [sflag:s15], $0x4000  }
0x34: {  	[sflag:s15] =	ssyncset.done $0x0  }
0x35: {  	s29 =	simm.s32 $0x0;
	[sflag:s15] =	ssyncadd.s32 $0xFFFFC000  }
0x36: {  	[tilespmem:s16], [sflag:$0x2] =	stream.linear.gather [hbm4b:s6+s29], $0x2800, $0x38;
	[tilespmem:$0x1D000] =	vst v63  }
0x37: {  	_ =	swait.ge [sflag:s15], $0x2800  }
0x38: {  	[sflag:s15] =	ssyncset.done $0x0  }
0x39: {  	[sflag:s15] =	ssyncadd.s32 $0xFFFFD800  }
0x3a: {  	[tilespmem:s17], [sflag:$0x2] =	stream.linear.gather [hbm4b:s7+s29], $0x2800, $0x38;
	[tilespmem:$0x1D000] =	vst v63  }
0x3b: {  	_ =	swait.ge [sflag:s15], $0x2800  }
0x3c: {  	[sflag:s15] =	ssyncset.done $0x0  }
0x3d: {  	[sflag:s15] =	ssyncadd.s32 $0xFFFFD800  }
0x3e: {  	s30 =	simm.s32 $0x14000;
	[bflag:$0x0] =	sbarrier.arrive $0xFFFF  }
0x3f: {  	[tilespmem:s14], [sflag:$0x1] =	stream.indirect.gather [hbm4b:s4+s18], $0x80, s30, s18, $0xb8;
	[tilespmem:$0x1D000] =	vst v63  }
0x40: {  	_ =	swait.ge [sflag:s19], $0x4000  }
0x41: {  	[sflag:s19] =	ssyncset.done $0x0  }
0x42: {  	s31 =	simm.s32 $0x16800;
	[sflag:s19] =	ssyncadd.s32 $0xFFFFC000  }
0x43: {  	[spmem:s2] =	stream.indirect.scatter.add.f32 [tilespmem:s14], [sflag:$0x2], $0x80, s31, s18, $0xb8;
	[tilespmem:$0x1D000] =	vst v63  }
0x44: {  	_ =	swait.ge [sflag:s15], $0x4000  }
0x45: {  	s23 =	simm.s32 $0x400;
	s22 =	simm.s32 $0x80;
	[sflag:s15] =	ssyncset.done $0x0  }
.LBB2_4:
0x46: {  	s24 =	sadd.s32 $0x14000, s22  }
0x47: {  	[sflag:s15] =	ssyncadd.s32 $0xFFFFC000;
	s25 =	smov.u32 s23;
	s26 =	sadd.s32 $0x200, s23  }
0x48: {  	[tilespmem:s14], [sflag:$0x1] =	stream.indirect.gather [hbm4b:s4+s18], $0x80, s24, s18, $0xb8;
	[tilespmem:$0x1D000] =	vst v63  }
0x49: {  	p0 =	sne.s32 s23, $0x9E00;
	_ =	swait.ge [sflag:s19], $0x4000  }
.Ltmp1:
0x4a: {  	[sflag:s19] =	ssyncset.done $0x0;
	(pc) =	sbr.rel @p0 .LBB2_4-.Ltmp1, $4  }
0x4b: {  	s22 =	sadd.s32 $0x16800, s22;
	[sflag:s19] =	ssyncadd.s32 $0xFFFFC000  }
0x4c: {  	[spmem:s2] =	stream.indirect.scatter.add.f32 [tilespmem:s14], [sflag:$0x2], $0x80, s22, s18, $0xb8;
	[tilespmem:$0x1D000] =	vst v63  }
0x4d: {  	_ =	swait.ge [sflag:s15], $0x4000  }
0x4e: {  	s23 =	smov.u32 s26;
	s22 =	sshra.s32 s25, $0x2;
	[sflag:s15] =	ssyncset.done $0x0  }
0x4f: {  	s23 =	sadd.s32 $0x14000, s22;
	[sflag:s15] =	ssyncadd.s32 $0xFFFFC000  }
0x50: {  	[tilespmem:s14], [sflag:$0x1] =	stream.indirect.gather [hbm4b:s4+s18], $0x80, s23, s18, $0xb8;
	[tilespmem:$0x1D000] =	vst v63  }
0x51: {  	_ =	swait.ge [sflag:s19], $0x4000  }
0x52: {  	[sflag:s19] =	ssyncset.done $0x0  }
0x53: {  	s31 =	sadd.s32 $0x16800, s22;
	[sflag:s19] =	ssyncadd.s32 $0xFFFFC000  }
0x54: {  	[spmem:s2] =	stream.indirect.scatter.add.f32 [tilespmem:s14], [sflag:$0x2], $0x80, s31, s18, $0xb8;
	[tilespmem:$0x1D000] =	vst v63  }
0x55: {  	_ =	swait.ge [sflag:s15], $0x4000  }
0x56: {  	s3 =	sadd.s32 $0x1, s3;
	[sflag:s15] =	ssyncset.done $0x0  }
0x57: {  	p0 =	sne.s32 s3, s9;
	[sflag:s15] =	ssyncadd.s32 $0xFFFFC000  }
.Ltmp2:
0x58: {  	[bflag:$0x0] =	sbarrier.arrive $0xFFFF;
	(pc) =	sbr.rel @p0 .LBB2_1-.Ltmp2, $4  }
0x59: {  	[hbm:s8], [sflag:s20] =	dma.local [spmem:s21], $0x2800  }
0x5a: {  	_ =	swait.ge [sflag:s15], $0x2800  }
0x5b: {  	[sflag:s15] =	ssyncset.done $0x0  }
0x5c: {  	[sflag:s15] =	ssyncadd.s32 $0xFFFFD800  }
0x5d: {  	_ =	sfence.sel $0x180000  }
0x5e: {  	[bflag:$0x0] =	sbarrier.arrive $0xFFFF  }
0x5f: {  	p0 =	sne.s32 s1, $0x0;
	_ =	strace $0x9000004D  }
0x60: {  	s0 =	sadd.s32 @!p0 $0x100000, s0;
	[bflag:$0x2] =	sbarrier.arrive $0xFFFF  }
0x61: {  	[sflag:s0] =	ssyncadd.tile.s32 @!p0 $0x1;
	_ =	shalt  }
.Lfunc_end2:
_tile_overlayer_lowered:
.L_overlay_start_2:
0x62: {  	(tag) =	ssettag $0x2  }
0x63: {  	s0 =	rddreg [dreg:$0x0];
	s2 =	stileid.u32  }
0x64: {  	s1 =	rddreg [dreg:$0x1];
	p0 =	sne.s32 s2, $0x0  }
0x65: {  	s3 =	rddreg [dreg:$0x2];
	[bflag:$0x3] =	sbarrier.arrive $0xFFFF;
	s2 =	simm.s32 @!p0 $0x1C02  }
0x66: {  	[timem:s3], [sflag:s2] =	dma.local @!p0 [hbm:s0], s1  }
0x67: {  	s0 =	simm.s32 @!p0 $0x2  }
0x68: {  	_ =	swait.ge @!p0 [sflag:s0], s1  }
0x69: {  	s1 =	ssub.s32 @!p0 $0x0, s1;
	[sflag:s0] =	ssyncset.done @!p0 $0x0  }
0x6a: {  	[sflag:s0] =	ssyncadd.s32 @!p0 s1  }
0x6b: {  	[bflag:$0x3] =	sbarrier.arrive $0xFFFF  }
0x6c: {  	_ =	shalt  }

// kernel: kernel.19.cloned.1.call-start
scs
__scs_entry_jumppad:
0x0: {  	(pc) =	sbr.rel $0x88, $3  }
0x1: {  	(tag) =	ssettag $0x0;
	lr =	simm.s32 $0x1  }
0x2: {  	[smem:$0x3F99] =	sst lr;
	_ =	strace $0xD0000000  }
0x3: {  	_ = 	snop  }
0x4: {  	_ = 	snop  }
0x5: {  	_ = 	snop  }
0x6: {  	_ = 	snop  }
0x7: {  	_ = 	snop  }
__scs_overlays_trampoline_lowered:
0x8: {  	[smem:$0x3FA8] =	sst s0  }
0x9: {  	[smem:$0x3FA9] =	sst s1  }
0xa: {  	[smem:$0x3FAA] =	sst s2  }
0xb: {  	[smem:$0x3FAB] =	sst s3  }
0xc: {  	[smem:$0x3FAC] =	sst s4  }
0xd: {  	[smem:$0x3FAD] =	sst s5  }
0xe: {  	[smem:$0x3FAE] =	sst s6  }
0xf: {  	[smem:$0x3FAF] =	sst s7  }
0x10: {  	[smem:$0x3FB0] =	sst s8  }
0x11: {  	[smem:$0x3FB1] =	sst s9;
	s0 =	simm.s32 @!p0 $0x0  }
0x12: {  	s1 =	sld [smem:$0x3F97];
	s0 =	simm.s32 @p0 $0x1  }
0x13: {  	[smem:$0x3FB2] =	sst s0;
	s0 =	simm.s32 @!p1 $0x0  }
0x14: {  	s2 =	sld [smem:$0x3F96];
	s0 =	simm.s32 @p1 $0x1  }
0x15: {  	[smem:$0x3FB3] =	sst s0;
	s0 =	simm.s32 @!p2 $0x0  }
0x16: {  	s3 =	sld [smem:$0x3FDB];
	s0 =	simm.s32 @p2 $0x1  }
0x17: {  	s4 =	simm.s32 $0x1BF5;
	[smem:$0x3FB5] =	sst s0  }
0x18: {  	s0 =	sld [smem:$0x3F98];
	_ =	swait.ge [sflag:s4], $0x0  }
0x19: {  	s7 =	sld [smem:$0x3F99]  }
0x1a: {  	s8 =	sadd.s32 $0xFFFFE003, lr  }
0x1b: {  	s9 =	sadd.s32 $0xFFFFFEF7, lr;
	s5 =	simm.s32 $0xFFFFFFFF;
	p2 =	slt.u32 s8, $0xFFFFF086  }
0x1c: {  	p1 =	slt.u32 s9, $0xF7A;
	s5 =	simm.s32 @!p2 $0x0  }
0x1d: {  	s5 =	simm.s32 @p1 $0x1;
	p0 =	seq.s32 s7, s2  }
0x1e: {  	s7 =	smul.u32 @!p0 $0xF7A, s2;
	p2 =	seq.s32 @!p0 s5, $0x0  }
0x1f: {  	s9 =	smul.u32 $0xF7A, s1;
	s8 =	simm.s32 @!p0 $0x1BF5;
	p2 =	por !p2, p0  }
0x20: {  	[sflag:s8] =	ssyncset.s32 @!p0 $0xFFFFF086;
	s6 =	sadd.s32 @!p0 s3, s7;
	s7 =	simm.s32 @!p0 $0x108  }
0x21: {  	s3 =	sadd.s32 s3, s9;
	s6 =	sadd.s32 @!p0 $0x88, s6;
	s7 =	simm.s32 @p2 $0x1082  }
0x22: {  	[simem:s7], [sflag:s8] =	dma.local @!p0 [hbm:s6], $0xF7A  }
0x23: {  	s9 =	sor.u32 $0xD0000000, s2;
	s6 =	simm.s32 $0x108;
	_ =	swait.ge @!p0 [sflag:s8], $0x0  }
0x24: {  	s3 =	sadd.s32 $0x88, s3;
	s6 =	simm.s32 @!p1 $0x1082;
	[sflag:s4] =	ssyncset.s32 $0xFFFFF086  }
0x25: {  	[simem:s6], [sflag:s4] =	dma.local [hbm:s3], $0xF7A  }
0x26: {  	[smem:$0x3F99] =	sst s1;
	(tag) =	ssettag s2;
	_ =	strace s9  }
0x27: {  	s1 =	sld [smem:$0x3FA9]  }
0x28: {  	s2 =	sld [smem:$0x3FAA]  }
0x29: {  	s4 =	sld [smem:$0x3FAC]  }
0x2a: {  	p0 =	seq.s32 s5, $0x0;
	s5 =	sld [smem:$0x3FAD]  }
0x2b: {  	s6 =	sld [smem:$0x3FAE]  }
0x2c: {  	s7 =	sld [smem:$0x3FAF]  }
0x2d: {  	s3 =	simm.s32 $0x108;
	s8 =	sld [smem:$0x3FB0]  }
0x2e: {  	s3 =	simm.s32 @!p0 $0x1082;
	s9 =	sld [smem:$0x3FB1]  }
0x2f: {  	lr =	sadd.s32 s0, s3;
	s0 =	sld [smem:$0x3FA8]  }
0x30: {  	s3 =	sld [smem:$0x3FAB]  }
0x31: {  	[smem:$0x3FB4] =	sst s10  }
0x32: {  	s10 =	sld [smem:$0x3FB2];
	_ =	sdelay $0x3  }
0x33: {  	p0 =	seq.s32 s10, $0x1;
	s10 =	sld [smem:$0x3FB4];
	_ =	sdelay $0x3  }
0x34: {  	[smem:$0x3FB4] =	sst s10  }
0x35: {  	s10 =	sld [smem:$0x3FB3];
	_ =	sdelay $0x3  }
0x36: {  	p1 =	seq.s32 s10, $0x1;
	s10 =	sld [smem:$0x3FB4];
	_ =	sdelay $0x3  }
0x37: {  	[smem:$0x3FB4] =	sst s10  }
0x38: {  	s10 =	sld [smem:$0x3FB5]  }
0x39: {  	_ = 	snop;
	(pc) =	sbr.ind lr, $3  }
0x3a: {  	_ = 	snop  }
0x3b: {  	_ = 	snop  }
0x3c: {  	p2 =	seq.s32 s10, $0x1;
	s10 =	sld [smem:$0x3FB4]  }
0x3d: {  	_ =	shalt  }
0x3e: {  	_ =	shalt  }
0x3f: {  	_ =	shalt  }
0x40: {  	_ =	shalt  }
0x41: {  	_ =	shalt  }
0x42: {  	_ =	shalt  }
0x43: {  	_ =	shalt  }
0x44: {  	_ =	shalt  }
0x45: {  	_ =	shalt  }
0x46: {  	_ =	shalt  }
0x47: {  	_ =	shalt  }
0x48: {  	_ =	shalt  }
0x49: {  	_ =	shalt  }
0x4a: {  	_ =	shalt  }
0x4b: {  	_ =	shalt  }
0x4c: {  	_ =	shalt  }
0x4d: {  	_ =	shalt  }
0x4e: {  	_ =	shalt  }
0x4f: {  	_ =	shalt  }
0x50: {  	_ =	shalt  }
0x51: {  	_ =	shalt  }
0x52: {  	_ =	shalt  }
0x53: {  	_ =	shalt  }
0x54: {  	_ =	shalt  }
0x55: {  	_ =	shalt  }
0x56: {  	_ =	shalt  }
0x57: {  	_ =	shalt  }
0x58: {  	_ =	shalt  }
0x59: {  	_ =	shalt  }
0x5a: {  	_ =	shalt  }
0x5b: {  	_ =	shalt  }
0x5c: {  	_ =	shalt  }
0x5d: {  	_ =	shalt  }
0x5e: {  	_ =	shalt  }
0x5f: {  	_ =	shalt  }
0x60: {  	_ =	shalt  }
0x61: {  	_ =	shalt  }
0x62: {  	_ =	shalt  }
0x63: {  	_ =	shalt  }
0x64: {  	_ =	shalt  }
0x65: {  	_ =	shalt  }
0x66: {  	_ =	shalt  }
0x67: {  	_ =	shalt  }
0x68: {  	_ =	shalt  }
0x69: {  	_ =	shalt  }
0x6a: {  	_ =	shalt  }
0x6b: {  	_ =	shalt  }
0x6c: {  	_ =	shalt  }
0x6d: {  	_ =	shalt  }
0x6e: {  	_ =	shalt  }
0x6f: {  	_ =	shalt  }
0x70: {  	_ =	shalt  }
0x71: {  	_ =	shalt  }
0x72: {  	_ =	shalt  }
0x73: {  	_ =	shalt  }
0x74: {  	_ =	shalt  }
0x75: {  	_ =	shalt  }
0x76: {  	_ =	shalt  }
0x77: {  	_ =	shalt  }
0x78: {  	_ =	shalt  }
0x79: {  	_ =	shalt  }
0x7a: {  	_ =	shalt  }
0x7b: {  	_ =	shalt  }
0x7c: {  	_ =	shalt  }
0x7d: {  	_ =	shalt  }
0x7e: {  	_ =	shalt  }
0x7f: {  	_ =	shalt  }
0x80: {  	_ =	shalt  }
0x81: {  	_ =	shalt  }
0x82: {  	_ =	shalt  }
0x83: {  	_ =	shalt  }
0x84: {  	_ =	shalt  }
0x85: {  	_ =	shalt  }
0x86: {  	_ =	shalt  }
0x87: {  	_ =	shalt  }
.Lfunc_end0:
.L_simem_size_0:
called_computation.3_lowered:
.L_overlay_start_0:
0x88: {  	s2 =	sld [smem:$0x3FD9]  }
0x89: {  	s3 =	sld [smem:$0x3FFE];
	_ =	sdelay $0x1  }
0x8a: {  	s1 =	srdreg.scid  }
0x8b: {  	s0 =	sand.u32 $0x1, s1  }
0x8c: {  	s17 =	sshll.u32 s0, $0xA;
	s2 =	sadd.s32 s3, s2  }
0x8d: {  	s2 =	sadd.s32 s2, s17  }
0x8e: {  	[smem:$0x3FC0] =	sst s2  }
0x8f: {  	_ = 	snop  }
0x90: {  	s2 =	sld [smem:$0x3FD0];
	(tm) =	ssettm $0x1  }
0x91: {  	s18 =	sld [smem:$0x3FFB];
	_ =	sdelay $0x3  }
0x92: {  	_ =	strace s18  }
0x93: {  	s3 =	sld [smem:$0x3FFC];
	_ =	sdelay $0x3  }
0x94: {  	_ =	strace s3  }
0x95: {  	s3 =	sld [smem:$0x3FFD];
	_ =	sdelay $0x3  }
0x96: {  	_ =	strace s3  }
0x97: {  	_ =	strace $0x8FFFFFFF  }
0x98: {  	s19 =	sld [smem:$0x3FDB];
	_ =	sdelay $0x1  }
0x99: {  	s4 =	simm.s32 $_scs_section_size  }
0x9a: {  	s5 =	simm.s32 $_size__tile_overlayer_lowered;
	s6 =	simm.s32 $_tile_overlayer_lowered  }
0x9b: {  	s22 =	simm.s32 $0x1BFF;
	s21 =	sshll.u32 s6, $0x1;
	s3 =	sadd.s32 s4, s19  }
0x9c: {  	s7 =	simm.s32 $0x0;
	s20 =	sshll.u32 s5, $0x1;
	s5 =	sadd.s32 s21, s3  }
0x9d: {  	[timem:s7], [sflag:s22] =	dma.local [hbm:s5], s20  }
0x9e: {  	_ =	swait.ge [sflag:s22], s20  }
0x9f: {  	s4 =	ssub.s32 $0x0, s20;
	[sflag:s22] =	ssyncset.done $0x0  }
0xa0: {  	[sflag:s22] =	ssyncadd.s32 s4;
	_ =	sdelay $0x1  }
0xa1: {  	s23 =	simm.s32 $0x1B8B  }
0xa2: {  	_ =	swait.ge [sflag:s23], $0x1  }
0xa3: {  	[sflag:s23] =	ssyncset.done $0x0  }
0xa4: {  	s25 =	simm.s32 $0x1B8E;
	s24 =	sld [smem:$0x3FFE];
	[sflag:s23] =	ssyncadd.s32 $0xFFFFFFFF  }
0xa5: {  	s26 =	simm.s32 $execute0_lowered;
	[smem:$0x3FD2] =	sst s25  }
0xa6: {  	s5 =	sshll.u32 s26, $0x1;
	_ =	strace $0x8000004F;
	[dreg:$0x1] =	wrdreg $0xFFFFFFFF  }
0xa7: {  	s28 =	simm.s32 $_size_execute0_lowered;
	s3 =	sadd.s32 s3, s5;
	[dreg:$0x0] =	wrdreg $0x0  }
0xa8: {  	s5 =	sshll.u32 s28, $0x1;
	[dreg:$0x2] =	wrdreg s3  }
0xa9: {  	[dreg:$0x3] =	wrdreg s5  }
0xaa: {  	[dreg:$0x4] =	wrdreg $0xC0  }
0xab: {  	_ =	task [dreg:s7], $0x5FFFF  }
0xac: {  	[dreg:$0x1] =	wrdreg $0xFFFFFFFF  }
0xad: {  	[dreg:$0x0] =	wrdreg $0x60  }
0xae: {  	[dreg:$0x2] =	wrdreg s24  }
0xaf: {  	[dreg:$0x3] =	wrdreg s2  }
0xb0: {  	[dreg:$0x4] =	wrdreg $0x0  }
0xb1: {  	[dreg:$0x5] =	wrdreg $0x9  }
0xb2: {  	_ =	task.clear_ibuf [dreg:s7], $0x6FFFF;
	_ =	strace $0x9000004F  }
0xb3: {  	s29 =	simm.s32 $0x9;
	_ =	strace $0x80000051  }
0xb4: {  	_ =	swait.ge [sflag:s29], $0x1  }
0xb5: {  	[sflag:s29] =	ssyncadd.s32 $0xFFFFFFFF  }
0xb6: {  	_ =	strace $0x90000051  }
0xb7: {  	_ =	sfence  }
0xb8: {  	s30 =	sld [smem:$0x0];
	_ =	sdelay $0x2  }
0xb9: {  	s31 =	sshll.u32 s1, $0xD;
	s1 =	sshrl.u32 s1, $0x2  }
0xba: {  	s3 =	sand.u32 $0x4000, s31;
	s1 =	sadd.s32 s1, s30  }
0xbb: {  	s0 =	sor.u32 s3, s0;
	s1 =	sshll.u32 s1, $0x11  }
0xbc: {  	s0 =	sor.u32 s1, s0  }
0xbd: {  	s0 =	sadd.s32 $0x8F2B, s0  }
0xbe: {  	[sflag:s0] =	ssyncadd.remote.s32 $0x1  }
0xbf: {  	_ =	sfence.sel $0xFFFF  }
0xc0: {  	[dreg:$0x0] =	wrdreg $0xFFFFFFFF;
	(pc) =	sbr.abs _section_cstart, $3  }
0xc1: {  	[dreg:$0x1] =	wrdreg $0xFFFFFFFF  }
0xc2: {  	_ =	task.clear_ibuf [dreg:s7], $0x2FFFF;
	_ =	strace $0x9FFFFFFF  }
0xc3: {  	(tm) =	ssettm $0x7FFFFFFF  }
tec
execute0_lowered:
.L_overlay_start_1:
0x0: {  	(tag) =	ssettag $0x1  }
0x1: {  	s5 =	rddreg [dreg:$0x0]  }
0x2: {  	s7 =	rddreg [dreg:$0x1]  }
0x3: {  	s2 =	rddreg [dreg:$0x2];
	s3 =	srdreg.scid  }
0x4: {  	s0 =	rddreg [dreg:$0x3];
	s1 =	stileid.u32;
	s14 =	simm.s32 $0x19000  }
0x5: {  	s15 =	simm.s32 $0x2;
	s16 =	simm.s32 $0x14000;
	s17 =	simm.s32 $0x16800  }
0x6: {  	s18 =	simm.s32 $0x80;
	s19 =	simm.s32 $0x1;
	s10 =	smul.u32 $0x14000, s1  }
0x7: {  	s6 =	sand.u32 $0x1, s3;
	s3 =	simm.s32 $0x0;
	s30 =	smul.u32 $0x50000, s1  }
0x8: {  	s4 =	sshll.u32 s1, $0x1;
	s20 =	sshll.u32 s1, $0x6;
	s8 =	smul.u32 $0x140000, s6  }
0x9: {  	[smem:$0x7FF] =	sst s3;
	s9 =	sor.u32 s6, s4;
	s4 =	sadd.s32 $0x2200, s5  }
0xa: {  	s6 =	ssub.s32 $0x2, s6;
	s20 =	sor.u32 $0x1C02, s20;
	s9 =	smul.u32 $0x500, s9  }
0xb: {  	_ =	strace $0x80000050;
	s12 =	sshrl.u32 s6, $0x1;
	s31 =	sshrl.u32 s30, $0x2  }
0xc: {  	s8 =	sadd.s32 s10, s8;
	s12 =	ssub.s32 s6, s12;
	s11 =	sadd.s32 s9, s5  }
0xd: {  	s8 =	sshrl.u32 s8, $0x3;
	s7 =	sadd.s32 s7, s9;
	s9 =	smax.u32 s12, $0x1  }
0xe: {  	s8 =	sadd.s32 s8, s5;
	s5 =	sadd.s32 s31, s2;
	s6 =	sadd.s32 $0x52200, s11  }
0xf: {  	s8 =	sadd.s32 $0x5C200, s8;
	s10 =	sadd.s32 $0x4000, s5;
	s11 =	sadd.s32 $0x8000, s5  }
0x10: {  	v0 =	vimm.f32 $0.0e+00;
	s12 =	sadd.s32 $0xC000, s5;
	s13 =	sadd.s32 $0x10000, s5;
	s21 =	sshrl.u32 s5, $0x3  }
.LBB2_1:
0x11: {  	s22 =	simm.s32 $0x0;
	s23 =	simm.s32 $0x200  }
.LBB2_2:
0x12: {  	p0 =	sne.s32 s23, $0xFE00;
	[tilespmem:s22+$0x19070] =	vst v0  }
0x13: {  	[tilespmem:s22+$0x19000] =	vst v0  }
0x14: {  	[tilespmem:s22+$0x19010] =	vst v0  }
.Ltmp0:
0x15: {  	[tilespmem:s22+$0x19020] =	vst v0;
	(pc) =	sbr.rel @p0 .LBB2_2-.Ltmp0, $4  }
0x16: {  	[tilespmem:s22+$0x19030] =	vst v0  }
0x17: {  	[tilespmem:s22+$0x19040] =	vst v0  }
0x18: {  	[tilespmem:s22+$0x19050] =	vst v0  }
0x19: {  	[tilespmem:s22+$0x19060] =	vst v0;
	s22 =	sshra.s32 s23, $0x2;
	s23 =	sadd.s32 $0x200, s23  }
0x1a: {  	[tilespmem:s22+$0x19070] =	vst v0  }
0x1b: {  	[tilespmem:s22+$0x19000] =	vst v0  }
0x1c: {  	[tilespmem:s22+$0x19010] =	vst v0  }
0x1d: {  	[tilespmem:s22+$0x19020] =	vst v0  }
0x1e: {  	[tilespmem:s22+$0x19030] =	vst v0  }
0x1f: {  	[tilespmem:s22+$0x19040] =	vst v0  }
0x20: {  	[tilespmem:s22+$0x19050] =	vst v0  }
0x21: {  	[tilespmem:s22+$0x19060] =	vst v0  }
0x22: {  	[spmem:s5] =	stream.linear.scatter [tilespmem:s14], [sflag:$0x2], $0x4000, $0x38;
	[tilespmem:$0x1D000] =	vst v63  }
0x23: {  	_ =	swait.ge [sflag:s15], $0x4000  }
0x24: {  	[sflag:s15] =	ssyncset.done $0x0  }
0x25: {  	[sflag:s15] =	ssyncadd.s32 $0xFFFFC000  }
0x26: {  	[spmem:s10] =	stream.linear.scatter [tilespmem:s14], [sflag:$0x2], $0x4000, $0x38;
	[tilespmem:$0x1D000] =	vst v63  }
0x27: {  	_ =	swait.ge [sflag:s15], $0x4000  }
0x28: {  	[sflag:s15] =	ssyncset.done $0x0  }
0x29: {  	[sflag:s15] =	ssyncadd.s32 $0xFFFFC000  }
0x2a: {  	[spmem:s11] =	stream.linear.scatter [tilespmem:s14], [sflag:$0x2], $0x4000, $0x38;
	[tilespmem:$0x1D000] =	vst v63  }
0x2b: {  	_ =	swait.ge [sflag:s15], $0x4000  }
0x2c: {  	[sflag:s15] =	ssyncset.done $0x0  }
0x2d: {  	[sflag:s15] =	ssyncadd.s32 $0xFFFFC000  }
0x2e: {  	[spmem:s12] =	stream.linear.scatter [tilespmem:s14], [sflag:$0x2], $0x4000, $0x38;
	[tilespmem:$0x1D000] =	vst v63  }
0x2f: {  	_ =	swait.ge [sflag:s15], $0x4000  }
0x30: {  	[sflag:s15] =	ssyncset.done $0x0  }
0x31: {  	[sflag:s15] =	ssyncadd.s32 $0xFFFFC000  }
0x32: {  	[spmem:s13] =	stream.linear.scatter [tilespmem:s14], [sflag:$0x2], $0x4000, $0x38;
	[tilespmem:$0x1D000] =	vst v63  }
0x33: {  	_ =	swait.ge [sflag:s15], $0x4000  }
0x34: {  	[sflag:s15] =	ssyncset.done $0x0  }
0x35: {  	s29 =	simm.s32 $0x0;
	[sflag:s15] =	ssyncadd.s32 $0xFFFFC000  }
0x36: {  	[tilespmem:s16], [sflag:$0x2] =	stream.linear.gather [hbm4b:s6+s29], $0x2800, $0x38;
	[tilespmem:$0x1D000] =	vst v63  }
0x37: {  	_ =	swait.ge [sflag:s15], $0x2800  }
0x38: {  	[sflag:s15] =	ssyncset.done $0x0  }
0x39: {  	[sflag:s15] =	ssyncadd.s32 $0xFFFFD800  }
0x3a: {  	[tilespmem:s17], [sflag:$0x2] =	stream.linear.gather [hbm4b:s7+s29], $0x2800, $0x38;
	[tilespmem:$0x1D000] =	vst v63  }
0x3b: {  	_ =	swait.ge [sflag:s15], $0x2800  }
0x3c: {  	[sflag:s15] =	ssyncset.done $0x0  }
0x3d: {  	[sflag:s15] =	ssyncadd.s32 $0xFFFFD800  }
0x3e: {  	s30 =	simm.s32 $0x14000;
	[bflag:$0x0] =	sbarrier.arrive $0xFFFF  }
0x3f: {  	[tilespmem:s14], [sflag:$0x1] =	stream.indirect.gather [hbm4b:s4+s18], $0x80, s30, s18, $0xb8;
	[tilespmem:$0x1D000] =	vst v63  }
0x40: {  	_ =	swait.ge [sflag:s19], $0x4000  }
0x41: {  	[sflag:s19] =	ssyncset.done $0x0  }
0x42: {  	s31 =	simm.s32 $0x16800;
	[sflag:s19] =	ssyncadd.s32 $0xFFFFC000  }
0x43: {  	[spmem:s2] =	stream.indirect.scatter.add.f32 [tilespmem:s14], [sflag:$0x2], $0x80, s31, s18, $0xb8;
	[tilespmem:$0x1D000] =	vst v63  }
0x44: {  	_ =	swait.ge [sflag:s15], $0x4000  }
0x45: {  	s23 =	simm.s32 $0x400;
	s22 =	simm.s32 $0x80;
	[sflag:s15] =	ssyncset.done $0x0  }
.LBB2_4:
0x46: {  	s24 =	sadd.s32 $0x14000, s22  }
0x47: {  	[sflag:s15] =	ssyncadd.s32 $0xFFFFC000;
	s25 =	smov.u32 s23;
	s26 =	sadd.s32 $0x200, s23  }
0x48: {  	[tilespmem:s14], [sflag:$0x1] =	stream.indirect.gather [hbm4b:s4+s18], $0x80, s24, s18, $0xb8;
	[tilespmem:$0x1D000] =	vst v63  }
0x49: {  	p0 =	sne.s32 s23, $0x9E00;
	_ =	swait.ge [sflag:s19], $0x4000  }
.Ltmp1:
0x4a: {  	[sflag:s19] =	ssyncset.done $0x0;
	(pc) =	sbr.rel @p0 .LBB2_4-.Ltmp1, $4  }
0x4b: {  	s22 =	sadd.s32 $0x16800, s22;
	[sflag:s19] =	ssyncadd.s32 $0xFFFFC000  }
0x4c: {  	[spmem:s2] =	stream.indirect.scatter.add.f32 [tilespmem:s14], [sflag:$0x2], $0x80, s22, s18, $0xb8;
	[tilespmem:$0x1D000] =	vst v63  }
0x4d: {  	_ =	swait.ge [sflag:s15], $0x4000  }
0x4e: {  	s23 =	smov.u32 s26;
	s22 =	sshra.s32 s25, $0x2;
	[sflag:s15] =	ssyncset.done $0x0  }
0x4f: {  	s23 =	sadd.s32 $0x14000, s22;
	[sflag:s15] =	ssyncadd.s32 $0xFFFFC000  }
0x50: {  	[tilespmem:s14], [sflag:$0x1] =	stream.indirect.gather [hbm4b:s4+s18], $0x80, s23, s18, $0xb8;
	[tilespmem:$0x1D000] =	vst v63  }
0x51: {  	_ =	swait.ge [sflag:s19], $0x4000  }
0x52: {  	[sflag:s19] =	ssyncset.done $0x0  }
0x53: {  	s31 =	sadd.s32 $0x16800, s22;
	[sflag:s19] =	ssyncadd.s32 $0xFFFFC000  }
0x54: {  	[spmem:s2] =	stream.indirect.scatter.add.f32 [tilespmem:s14], [sflag:$0x2], $0x80, s31, s18, $0xb8;
	[tilespmem:$0x1D000] =	vst v63  }
0x55: {  	_ =	swait.ge [sflag:s15], $0x4000  }
0x56: {  	s3 =	sadd.s32 $0x1, s3;
	[sflag:s15] =	ssyncset.done $0x0  }
0x57: {  	p0 =	sne.s32 s3, s9;
	[sflag:s15] =	ssyncadd.s32 $0xFFFFC000  }
.Ltmp2:
0x58: {  	[bflag:$0x0] =	sbarrier.arrive $0xFFFF;
	(pc) =	sbr.rel @p0 .LBB2_1-.Ltmp2, $4  }
0x59: {  	[hbm:s8], [sflag:s20] =	dma.local [spmem:s21], $0x2800  }
0x5a: {  	_ =	swait.ge [sflag:s15], $0x2800  }
0x5b: {  	[sflag:s15] =	ssyncset.done $0x0  }
0x5c: {  	[sflag:s15] =	ssyncadd.s32 $0xFFFFD800  }
0x5d: {  	_ =	sfence.sel $0x180000  }
0x5e: {  	[bflag:$0x0] =	sbarrier.arrive $0xFFFF  }
0x5f: {  	p0 =	sne.s32 s1, $0x0;
	_ =	strace $0x90000050  }
0x60: {  	s0 =	sadd.s32 @!p0 $0x100000, s0;
	[bflag:$0x2] =	sbarrier.arrive $0xFFFF  }
0x61: {  	[sflag:s0] =	ssyncadd.tile.s32 @!p0 $0x1;
	_ =	shalt  }
.Lfunc_end2:
_tile_overlayer_lowered:
.L_overlay_start_2:
0x62: {  	(tag) =	ssettag $0x2  }
0x63: {  	s0 =	rddreg [dreg:$0x0];
	s2 =	stileid.u32  }
0x64: {  	s1 =	rddreg [dreg:$0x1];
	p0 =	sne.s32 s2, $0x0  }
0x65: {  	s3 =	rddreg [dreg:$0x2];
	[bflag:$0x3] =	sbarrier.arrive $0xFFFF;
	s2 =	simm.s32 @!p0 $0x1C02  }
0x66: {  	[timem:s3], [sflag:s2] =	dma.local @!p0 [hbm:s0], s1  }
0x67: {  	s0 =	simm.s32 @!p0 $0x2  }
0x68: {  	_ =	swait.ge @!p0 [sflag:s0], s1  }
0x69: {  	s1 =	ssub.s32 @!p0 $0x0, s1;
	[sflag:s0] =	ssyncset.done @!p0 $0x0  }
0x6a: {  	[sflag:s0] =	ssyncadd.s32 @!p0 s1  }
0x6b: {  	[bflag:$0x3] =	sbarrier.arrive $0xFFFF  }
0x6c: {  	_ =	shalt  }

</sc_bundles>
